<compile_context>
chip_gen: v7x
topology: tpu7x:2x2x1
jax: 0.10.2.dev20260603
libtpu: 0.0.44.dev20260713+nightly
codegen_flags: <defaults>
</compile_context>

<pallas_src>
import functools

import jax
import jax.numpy as jnp
from jax import lax
from jax.experimental import pallas as pl
from jax.experimental.pallas import tpu as pltpu
from jax.experimental.pallas import tpu_sc as plsc

B = 16384
MF_DIM = 64
MLP0 = 128
EPS = 1e-5

NC, NS = 2, 16
NW = NC * NS
CHUNK = 128
B_PER_W = B // NW
N_CHUNKS = B_PER_W // CHUNK
NSLOT = 3


@functools.lru_cache(maxsize=None)
def _make_pair_gather(d_model):
    mesh = plsc.VectorSubcoreMesh(
        core_axis_name="c", subcore_axis_name="s",
        num_cores=NC, num_subcores=NS)

    @functools.partial(
        pl.kernel,
        out_type=(
            jax.ShapeDtypeStruct((B, d_model), jnp.float32),
            jax.ShapeDtypeStruct((B, d_model), jnp.float32),
        ),
        mesh=mesh,
        compiler_params=pltpu.CompilerParams(
            use_tc_tiling_on_sc=True, needs_layout_passes=False),
        scratch_types=[
            pltpu.VMEM((B_PER_W,), jnp.int32),
            pltpu.VMEM((B_PER_W,), jnp.int32),
        ] + [pltpu.VMEM((CHUNK, d_model), jnp.float32) for _ in range(2 * NSLOT)]
          + [pltpu.SemaphoreType.DMA for _ in range(2 * NSLOT)],
    )
    def k(u_hbm, i_hbm, ut, it, out_u, out_i,
          idx_u, idx_i, bu0, bu1, bu2, bi0, bi1, bi2,
          g0, g1, g2, w0, w1, w2):
        bu = (bu0, bu1, bu2)
        bi = (bi0, bi1, bi2)
        gsem = (g0, g1, g2)
        wsem = (w0, w1, w2)
        wid = lax.axis_index("s") * NC + lax.axis_index("c")
        base = wid * B_PER_W
        pltpu.sync_copy(u_hbm.at[pl.ds(base, B_PER_W)], idx_u)
        pltpu.sync_copy(i_hbm.at[pl.ds(base, B_PER_W)], idx_i)

        gh = [None] * N_CHUNKS
        wh = [None] * N_CHUNKS

        def fire_gather(c):
            s = c % NSLOT
            sl = pl.ds(c * CHUNK, CHUNK)
            gh[c] = (
                pltpu.async_copy(ut.at[idx_u.at[sl]], bu[s], gsem[s]),
                pltpu.async_copy(it.at[idx_i.at[sl]], bi[s], gsem[s]),
            )

        def fire_write(c):
            s = c % NSLOT
            sl = pl.ds(base + c * CHUNK, CHUNK)
            wh[c] = (
                pltpu.async_copy(bu[s], out_u.at[sl], wsem[s]),
                pltpu.async_copy(bi[s], out_i.at[sl], wsem[s]),
            )

        for c in range(min(NSLOT, N_CHUNKS)):
            fire_gather(c)
        for c in range(N_CHUNKS):
            for h in gh[c]:
                h.wait()
            fire_write(c)
            if c + NSLOT < N_CHUNKS:
                for h in wh[c]:
                    h.wait()
                fire_gather(c + NSLOT)
        for c in range(max(0, N_CHUNKS - NSLOT), N_CHUNKS):
            for h in wh[c]:
                h.wait()

    return k


def _gather_mlp(u, i, ut, it):
    return _make_pair_gather(MLP0)(u, i, ut, it)


def _gather_gmf_pairs(uh, ih, ut2, it2):
    return _make_pair_gather(2 * MF_DIM)(uh, ih, ut2, it2)


def _leaky(x):
    return jnp.where(x >= 0, x, 0.1 * x)


def _tc_body(um_r, im_r, pug_r, pig_r, up_r, ip_r,
             w1u_r, w1i_r, b1_r, w2_r, b2_r, wpg_r, wph_r, bp_r, out_r):
    hp = jnp.float32
    h = (
        jnp.dot(um_r[...], w1u_r[...], preferred_element_type=hp,
                precision=lax.Precision.HIGHEST)
        + jnp.dot(im_r[...], w1i_r[...], preferred_element_type=hp,
                  precision=lax.Precision.HIGHEST)
        + b1_r[...]
    )
    h = _leaky(h)
    h2 = jnp.dot(h, w2_r[...], preferred_element_type=hp,
                 precision=lax.Precision.HIGHEST) + b2_r[...]
    h2 = _leaky(h2)
    pu = pug_r[...]
    pi = pig_r[...]
    ug = jnp.where(up_r[...] > 0, pu[:, MF_DIM:], pu[:, :MF_DIM])
    ig = jnp.where(ip_r[...] > 0, pi[:, MF_DIM:], pi[:, :MF_DIM])
    gmf = ug * ig
    s = jnp.sum(gmf * wpg_r[...], axis=1) + jnp.sum(h2 * wph_r[...], axis=1)
    out_r[...] = s + bp_r[0]


def _tc_dense(um, im, pug, pig, upar, ipar,
              w1u, w1i, b1, w2, b2, wpg, wph, bp):
    blk = 2048
    grid = (B // blk,)
    full = lambda shape: pl.BlockSpec(shape, lambda b: (0,) * len(shape))
    return pl.pallas_call(
        _tc_body,
        grid=grid,
        in_specs=[
            pl.BlockSpec((blk, MLP0), lambda b: (b, 0)),
            pl.BlockSpec((blk, MLP0), lambda b: (b, 0)),
            pl.BlockSpec((blk, 128), lambda b: (b, 0)),
            pl.BlockSpec((blk, 128), lambda b: (b, 0)),
            pl.BlockSpec((blk, 1), lambda b: (b, 0)),
            pl.BlockSpec((blk, 1), lambda b: (b, 0)),
            full((MLP0, 64)),
            full((MLP0, 64)),
            full((1, 64)),
            full((64, 32)),
            full((1, 32)),
            full((1, MF_DIM)),
            full((1, 32)),
            pl.BlockSpec(memory_space=pltpu.SMEM),
        ],
        out_specs=pl.BlockSpec((blk,), lambda b: (b,)),
        out_shape=jax.ShapeDtypeStruct((B,), jnp.float32),
    )(um, im, pug, pig, upar, ipar, w1u, w1i, b1, w2, b2, wpg, wph, bp)


def kernel(u, i, user_gmf, item_gmf, user_mlp, item_mlp, user_bias, item_bias,
           W1, b1, g1, beta1, rm1, rv1, W2, b2, g2, beta2, rm2, rv2, Wp, bp):
    u32 = u.astype(jnp.int32)
    i32 = i.astype(jnp.int32)
    um, im = _gather_mlp(u32, i32, user_mlp, item_mlp)
    nu = user_gmf.shape[0]
    ni = item_gmf.shape[0]
    pug, pig = _gather_gmf_pairs(
        jnp.right_shift(u32, 1), jnp.right_shift(i32, 1),
        user_gmf.reshape(nu // 2, 2 * MF_DIM),
        item_gmf.reshape(ni // 2, 2 * MF_DIM))
    upar = jnp.bitwise_and(u32, 1).reshape(B, 1)
    ipar = jnp.bitwise_and(i32, 1).reshape(B, 1)

    s1 = g1 / jnp.sqrt(rv1 + EPS)
    w1f = W1 * s1[None, :]
    b1f = ((b1 - rm1) * s1 + beta1).reshape(1, 64)
    s2 = g2 / jnp.sqrt(rv2 + EPS)
    w2f = W2 * s2[None, :]
    b2f = ((b2 - rm2) * s2 + beta2).reshape(1, 32)
    wpg = Wp[:MF_DIM, 0].reshape(1, MF_DIM)
    wph = Wp[MF_DIM:, 0].reshape(1, 32)

    return _tc_dense(um, im, pug, pig, upar, ipar,
                     w1f[:MLP0], w1f[MLP0:], b1f, w2f, b2f, wpg, wph, bp)

# --- scband reference (transcript-rebuilt; emitter-appended) ---
"""Pipeline reference for scband-enhanced-neu-mf-73753178407659 (READ-ONLY COPY).

The authoritative reference and input builder live on the scoring server;
editing this copy changes nothing except your own understanding.
"""

import jax, jax.numpy as jnp
import numpy as np

NUM_USERS = 100000
NUM_ITEMS = 100000
MF_DIM = 64
MLP0 = 128
B = 16384
EPS = 1e-5

def _xavier(key, fan_in, fan_out):
    limit = np.sqrt(6.0 / (fan_in + fan_out))
    return jax.random.uniform(key, (fan_in, fan_out), jnp.float32, -limit, limit)

def setup_inputs(seed: int = 0):
    key = jax.random.key(seed)
    ks = jax.random.split(key, 12)
    inp = {}
    inp['u'] = jax.random.randint(ks[0], (B,), 0, NUM_USERS, dtype=jnp.int64 if jax.config.jax_enable_x64 else jnp.int32)
    inp['i'] = jax.random.randint(ks[1], (B,), 0, NUM_ITEMS, dtype=jnp.int64 if jax.config.jax_enable_x64 else jnp.int32)
    inp['user_gmf'] = 0.01 * jax.random.normal(ks[2], (NUM_USERS, MF_DIM), jnp.float32)
    inp['item_gmf'] = 0.01 * jax.random.normal(ks[3], (NUM_ITEMS, MF_DIM), jnp.float32)
    inp['user_mlp'] = 0.01 * jax.random.normal(ks[4], (NUM_USERS, MLP0), jnp.float32)
    inp['item_mlp'] = 0.01 * jax.random.normal(ks[5], (NUM_ITEMS, MLP0), jnp.float32)
    inp['user_bias'] = jnp.zeros((NUM_USERS, 1), jnp.float32)
    inp['item_bias'] = jnp.zeros((NUM_ITEMS, 1), jnp.float32)
    # MLP: Linear(256 -> 64), BN(64); Linear(64 -> 32), BN(32)
    inp['W1'] = _xavier(ks[6], 2 * MLP0, 64)
    inp['b1'] = jnp.zeros((64,), jnp.float32)
    inp['g1'] = jnp.ones((64,), jnp.float32)
    inp['beta1'] = jnp.zeros((64,), jnp.float32)
    inp['rm1'] = jnp.zeros((64,), jnp.float32)
    inp['rv1'] = jnp.ones((64,), jnp.float32)
    inp['W2'] = _xavier(ks[7], 64, 32)
    inp['b2'] = jnp.zeros((32,), jnp.float32)
    inp['g2'] = jnp.ones((32,), jnp.float32)
    inp['beta2'] = jnp.zeros((32,), jnp.float32)
    inp['rm2'] = jnp.zeros((32,), jnp.float32)
    inp['rv2'] = jnp.ones((32,), jnp.float32)
    # predict: Linear(mf_dim + 32 = 96 -> 1)
    inp['Wp'] = _xavier(ks[8], MF_DIM + 32, 1)
    inp['bp'] = jnp.zeros((1,), jnp.float32)
    return inp

def _leaky(x):
    return jnp.where(x >= 0, x, 0.1 * x)

def reference(u, i, user_gmf, item_gmf, user_mlp, item_mlp, user_bias, item_bias,
              W1, b1, g1, beta1, rm1, rv1, W2, b2, g2, beta2, rm2, rv2, Wp, bp):
    # GMF branch: gather + elementwise product
    gmf = jnp.take(user_gmf, u, axis=0) * jnp.take(item_gmf, i, axis=0)
    # MLP branch (eval-mode BatchNorm, dropout identity)
    h = jnp.concatenate([jnp.take(user_mlp, u, axis=0), jnp.take(item_mlp, i, axis=0)], axis=1)
    h = h @ W1 + b1
    h = (h - rm1) / jnp.sqrt(rv1 + EPS) * g1 + beta1
    h = _leaky(h)
    h = h @ W2 + b2
    h = (h - rm2) / jnp.sqrt(rv2 + EPS) * g2 + beta2
    h = _leaky(h)
    x = jnp.concatenate([gmf, h], axis=1)
    base_pred = (x @ Wp + bp).squeeze(-1)
    u_b = jnp.take(user_bias, u, axis=0).squeeze(-1)
    i_b = jnp.take(item_bias, i, axis=0).squeeze(-1)
    return base_pred + u_b + i_b

if __name__ == "__main__":
    import jax
    _d = setup_inputs()
    print(jax.jit(kernel)(*tuple(_d.values())))

</pallas_src>

<mosaic_0001>
#map = affine_map<(d0, d1) -> (0)>
#map1 = affine_map<(d0, d1) -> (0, 0)>
module attributes {stable_mosaic.version = 14 : i64} {
  func.func @k(%arg0: i32, %arg1: i32, %arg2: memref<16384xi32, #tpu.memory_space<hbm>>, %arg3: memref<16384xi32, #tpu.memory_space<hbm>>, %arg4: memref<100000x128xf32, #tpu.memory_space<hbm>>, %arg5: memref<100000x128xf32, #tpu.memory_space<hbm>>, %arg6: memref<16384x128xf32, #tpu.memory_space<hbm>>, %arg7: memref<16384x128xf32, #tpu.memory_space<hbm>>, %arg8: memref<512xi32, #tpu.memory_space<vmem>>, %arg9: memref<512xi32, #tpu.memory_space<vmem>>, %arg10: memref<128x128xf32, #tpu.memory_space<vmem>>, %arg11: memref<128x128xf32, #tpu.memory_space<vmem>>, %arg12: memref<128x128xf32, #tpu.memory_space<vmem>>, %arg13: memref<128x128xf32, #tpu.memory_space<vmem>>, %arg14: memref<128x128xf32, #tpu.memory_space<vmem>>, %arg15: memref<128x128xf32, #tpu.memory_space<vmem>>, %arg16: memref<!tpu.dma_semaphore, #tpu.memory_space<semaphore_mem>>, %arg17: memref<!tpu.dma_semaphore, #tpu.memory_space<semaphore_mem>>, %arg18: memref<!tpu.dma_semaphore, #tpu.memory_space<semaphore_mem>>, %arg19: memref<!tpu.dma_semaphore, #tpu.memory_space<semaphore_mem>>, %arg20: memref<!tpu.dma_semaphore, #tpu.memory_space<semaphore_mem>>, %arg21: memref<!tpu.dma_semaphore, #tpu.memory_space<semaphore_mem>>) attributes {dimension_semantics = [#tpu.dimension_semantics<core_parallel>, #tpu.dimension_semantics<subcore_parallel>], iteration_bounds = array<i64: 2, 16>, scalar_prefetch = 0 : i64, scratch_operands = 14 : i64, tpu.core_type = #tpu.core_type<sc_vector_subcore>, window_params = [{transform_indices = #map}, {transform_indices = #map}, {transform_indices = #map1}, {transform_indices = #map1}, {transform_indices = #map1}, {transform_indices = #map1}]} {
    %mul3A = arith.constant 2 : i32
    %mul3A_0 = arith.muli %arg1, %mul3A : i32
    %add3A = arith.addi %mul3A_0, %arg0 : i32
    %mul3A_1 = arith.constant 512 : i32
    %mul3A_2 = arith.muli %add3A, %mul3A_1 : i32
    "tpu.region"() ({
      %run_scoped3A = tpu.sem_alloc : memref<!tpu.dma_semaphore, #tpu.memory_space<semaphore_mem>>
      %dma_start3A_153 = tpu.memref_slice %arg2[%mul3A_2] : memref<16384xi32, #tpu.memory_space<hbm>> -> memref<512xi32, #tpu.memory_space<hbm>>
      %dma_start3A_154 = tpu.memref_slice %arg2[%mul3A_2] : memref<16384xi32, #tpu.memory_space<hbm>> -> memref<512xi32, #tpu.memory_space<hbm>>
      tpu.enqueue_dma source(%dma_start3A_154 : memref<512xi32, #tpu.memory_space<hbm>>) target(%arg8 : memref<512xi32, #tpu.memory_space<vmem>>) target_semaphore(%run_scoped3A : memref<!tpu.dma_semaphore, #tpu.memory_space<semaphore_mem>>)
      %dma_wait3A_155 = tpu.memref_slice %arg2[%mul3A_2] : memref<16384xi32, #tpu.memory_space<hbm>> -> memref<512xi32, #tpu.memory_space<hbm>>
      %dma_wait3A_156 = tpu.memref_slice %arg2[%mul3A_2] : memref<16384xi32, #tpu.memory_space<hbm>> -> memref<512xi32, #tpu.memory_space<hbm>>
      tpu.wait_dma2 semaphore(%run_scoped3A : memref<!tpu.dma_semaphore, #tpu.memory_space<semaphore_mem>>) src(%dma_wait3A_156 : memref<512xi32, #tpu.memory_space<hbm>>) dst(%arg8 : memref<512xi32, #tpu.memory_space<vmem>>)
      tpu.yield
    }) : () -> ()
    "tpu.region"() ({
      %run_scoped3A = tpu.sem_alloc : memref<!tpu.dma_semaphore, #tpu.memory_space<semaphore_mem>>
      %dma_start3A_153 = tpu.memref_slice %arg3[%mul3A_2] : memref<16384xi32, #tpu.memory_space<hbm>> -> memref<512xi32, #tpu.memory_space<hbm>>
      %dma_start3A_154 = tpu.memref_slice %arg3[%mul3A_2] : memref<16384xi32, #tpu.memory_space<hbm>> -> memref<512xi32, #tpu.memory_space<hbm>>
      tpu.enqueue_dma source(%dma_start3A_154 : memref<512xi32, #tpu.memory_space<hbm>>) target(%arg9 : memref<512xi32, #tpu.memory_space<vmem>>) target_semaphore(%run_scoped3A : memref<!tpu.dma_semaphore, #tpu.memory_space<semaphore_mem>>)
      %dma_wait3A_155 = tpu.memref_slice %arg3[%mul3A_2] : memref<16384xi32, #tpu.memory_space<hbm>> -> memref<512xi32, #tpu.memory_space<hbm>>
      %dma_wait3A_156 = tpu.memref_slice %arg3[%mul3A_2] : memref<16384xi32, #tpu.memory_space<hbm>> -> memref<512xi32, #tpu.memory_space<hbm>>
      tpu.wait_dma2 semaphore(%run_scoped3A : memref<!tpu.dma_semaphore, #tpu.memory_space<semaphore_mem>>) src(%dma_wait3A_156 : memref<512xi32, #tpu.memory_space<hbm>>) dst(%arg9 : memref<512xi32, #tpu.memory_space<vmem>>)
      tpu.yield
    }) : () -> ()
    %dma_start3A = arith.constant 0 : i32
    %dma_start3A_3 = tpu.memref_slice %arg8[%dma_start3A] : memref<512xi32, #tpu.memory_space<vmem>> -> memref<128xi32, #tpu.memory_space<vmem>>
    %dma_start3A_4 = arith.constant 0 : i32
    %dma_start3A_5 = arith.constant 0 : i32
    %dma_start3A_6 = tpu.memref_slice %arg4[%dma_start3A_4, %dma_start3A_5] : memref<100000x128xf32, #tpu.memory_space<hbm>> -> memref<100000x128xf32, #tpu.memory_space<hbm>>
    tpu.enqueue_indirect_dma source(%dma_start3A_6 : memref<100000x128xf32, #tpu.memory_space<hbm>>) target(%arg10 : memref<128x128xf32, #tpu.memory_space<vmem>>) offsets(%dma_start3A_3 : memref<128xi32, #tpu.memory_space<vmem>>) semaphore(%arg16 : memref<!tpu.dma_semaphore, #tpu.memory_space<semaphore_mem>>)
    %dma_start3A_7 = arith.constant 0 : i32
    %dma_start3A_8 = tpu.memref_slice %arg9[%dma_start3A_7] : memref<512xi32, #tpu.memory_space<vmem>> -> memref<128xi32, #tpu.memory_space<vmem>>
    %dma_start3A_9 = arith.constant 0 : i32
    %dma_start3A_10 = arith.constant 0 : i32
    %dma_start3A_11 = tpu.memref_slice %arg5[%dma_start3A_9, %dma_start3A_10] : memref<100000x128xf32, #tpu.memory_space<hbm>> -> memref<100000x128xf32, #tpu.memory_space<hbm>>
    tpu.enqueue_indirect_dma source(%dma_start3A_11 : memref<100000x128xf32, #tpu.memory_space<hbm>>) target(%arg13 : memref<128x128xf32, #tpu.memory_space<vmem>>) offsets(%dma_start3A_8 : memref<128xi32, #tpu.memory_space<vmem>>) semaphore(%arg16 : memref<!tpu.dma_semaphore, #tpu.memory_space<semaphore_mem>>)
    %dma_start3A_12 = arith.constant 128 : i32
    %dma_start3A_13 = tpu.memref_slice %arg8[%dma_start3A_12] : memref<512xi32, #tpu.memory_space<vmem>> -> memref<128xi32, #tpu.memory_space<vmem>>
    %dma_start3A_14 = arith.constant 0 : i32
    %dma_start3A_15 = arith.constant 0 : i32
    %dma_start3A_16 = tpu.memref_slice %arg4[%dma_start3A_14, %dma_start3A_15] : memref<100000x128xf32, #tpu.memory_space<hbm>> -> memref<100000x128xf32, #tpu.memory_space<hbm>>
    tpu.enqueue_indirect_dma source(%dma_start3A_16 : memref<100000x128xf32, #tpu.memory_space<hbm>>) target(%arg11 : memref<128x128xf32, #tpu.memory_space<vmem>>) offsets(%dma_start3A_13 : memref<128xi32, #tpu.memory_space<vmem>>) semaphore(%arg17 : memref<!tpu.dma_semaphore, #tpu.memory_space<semaphore_mem>>)
    %dma_start3A_17 = arith.constant 128 : i32
    %dma_start3A_18 = tpu.memref_slice %arg9[%dma_start3A_17] : memref<512xi32, #tpu.memory_space<vmem>> -> memref<128xi32, #tpu.memory_space<vmem>>
    %dma_start3A_19 = arith.constant 0 : i32
    %dma_start3A_20 = arith.constant 0 : i32
    %dma_start3A_21 = tpu.memref_slice %arg5[%dma_start3A_19, %dma_start3A_20] : memref<100000x128xf32, #tpu.memory_space<hbm>> -> memref<100000x128xf32, #tpu.memory_space<hbm>>
    tpu.enqueue_indirect_dma source(%dma_start3A_21 : memref<100000x128xf32, #tpu.memory_space<hbm>>) target(%arg14 : memref<128x128xf32, #tpu.memory_space<vmem>>) offsets(%dma_start3A_18 : memref<128xi32, #tpu.memory_space<vmem>>) semaphore(%arg17 : memref<!tpu.dma_semaphore, #tpu.memory_space<semaphore_mem>>)
    %dma_start3A_22 = arith.constant 256 : i32
    %dma_start3A_23 = tpu.memref_slice %arg8[%dma_start3A_22] : memref<512xi32, #tpu.memory_space<vmem>> -> memref<128xi32, #tpu.memory_space<vmem>>
    %dma_start3A_24 = arith.constant 0 : i32
    %dma_start3A_25 = arith.constant 0 : i32
    %dma_start3A_26 = tpu.memref_slice %arg4[%dma_start3A_24, %dma_start3A_25] : memref<100000x128xf32, #tpu.memory_space<hbm>> -> memref<100000x128xf32, #tpu.memory_space<hbm>>
    tpu.enqueue_indirect_dma source(%dma_start3A_26 : memref<100000x128xf32, #tpu.memory_space<hbm>>) target(%arg12 : memref<128x128xf32, #tpu.memory_space<vmem>>) offsets(%dma_start3A_23 : memref<128xi32, #tpu.memory_space<vmem>>) semaphore(%arg18 : memref<!tpu.dma_semaphore, #tpu.memory_space<semaphore_mem>>)
    %dma_start3A_27 = arith.constant 256 : i32
    %dma_start3A_28 = tpu.memref_slice %arg9[%dma_start3A_27] : memref<512xi32, #tpu.memory_space<vmem>> -> memref<128xi32, #tpu.memory_space<vmem>>
    %dma_start3A_29 = arith.constant 0 : i32
    %dma_start3A_30 = arith.constant 0 : i32
    %dma_start3A_31 = tpu.memref_slice %arg5[%dma_start3A_29, %dma_start3A_30] : memref<100000x128xf32, #tpu.memory_space<hbm>> -> memref<100000x128xf32, #tpu.memory_space<hbm>>
    tpu.enqueue_indirect_dma source(%dma_start3A_31 : memref<100000x128xf32, #tpu.memory_space<hbm>>) target(%arg15 : memref<128x128xf32, #tpu.memory_space<vmem>>) offsets(%dma_start3A_28 : memref<128xi32, #tpu.memory_space<vmem>>) semaphore(%arg18 : memref<!tpu.dma_semaphore, #tpu.memory_space<semaphore_mem>>)
    %dma_wait3A = arith.constant 0 : i32
    %dma_wait3A_32 = tpu.memref_slice %arg8[%dma_wait3A] : memref<512xi32, #tpu.memory_space<vmem>> -> memref<128xi32, #tpu.memory_space<vmem>>
    %dma_wait3A_33 = arith.constant 0 : i32
    %dma_wait3A_34 = arith.constant 0 : i32
    %dma_wait3A_35 = tpu.memref_slice %arg4[%dma_wait3A_33, %dma_wait3A_34] : memref<100000x128xf32, #tpu.memory_space<hbm>> -> memref<100000x128xf32, #tpu.memory_space<hbm>>
    tpu.wait_indirect_dma semaphore(%arg16 : memref<!tpu.dma_semaphore, #tpu.memory_space<semaphore_mem>>) src(%dma_wait3A_35 : memref<100000x128xf32, #tpu.memory_space<hbm>>) dst(%arg10 : memref<128x128xf32, #tpu.memory_space<vmem>>)
    %dma_wait3A_36 = arith.constant 0 : i32
    %dma_wait3A_37 = tpu.memref_slice %arg9[%dma_wait3A_36] : memref<512xi32, #tpu.memory_space<vmem>> -> memref<128xi32, #tpu.memory_space<vmem>>
    %dma_wait3A_38 = arith.constant 0 : i32
    %dma_wait3A_39 = arith.constant 0 : i32
    %dma_wait3A_40 = tpu.memref_slice %arg5[%dma_wait3A_38, %dma_wait3A_39] : memref<100000x128xf32, #tpu.memory_space<hbm>> -> memref<100000x128xf32, #tpu.memory_space<hbm>>
    tpu.wait_indirect_dma semaphore(%arg16 : memref<!tpu.dma_semaphore, #tpu.memory_space<semaphore_mem>>) src(%dma_wait3A_40 : memref<100000x128xf32, #tpu.memory_space<hbm>>) dst(%arg13 : memref<128x128xf32, #tpu.memory_space<vmem>>)
    %add3A_41 = arith.constant 0 : i32
    %add3A_42 = arith.addi %mul3A_2, %add3A_41 : i32
    %dma_start3A_43 = arith.constant 0 : i32
    %dma_start3A_44 = tpu.memref_slice %arg6[%add3A_42, %dma_start3A_43] : memref<16384x128xf32, #tpu.memory_space<hbm>> -> memref<128x128xf32, #tpu.memory_space<hbm>>
    %dma_start3A_45 = arith.constant 0 : i32
    %dma_start3A_46 = tpu.memref_slice %arg6[%add3A_42, %dma_start3A_45] : memref<16384x128xf32, #tpu.memory_space<hbm>> -> memref<128x128xf32, #tpu.memory_space<hbm>>
    tpu.enqueue_dma source(%arg10 : memref<128x128xf32, #tpu.memory_space<vmem>>) target(%dma_start3A_46 : memref<128x128xf32, #tpu.memory_space<hbm>>) target_semaphore(%arg19 : memref<!tpu.dma_semaphore, #tpu.memory_space<semaphore_mem>>)
    %dma_start3A_47 = arith.constant 0 : i32
    %dma_start3A_48 = tpu.memref_slice %arg7[%add3A_42, %dma_start3A_47] : memref<16384x128xf32, #tpu.memory_space<hbm>> -> memref<128x128xf32, #tpu.memory_space<hbm>>
    %dma_start3A_49 = arith.constant 0 : i32
    %dma_start3A_50 = tpu.memref_slice %arg7[%add3A_42, %dma_start3A_49] : memref<16384x128xf32, #tpu.memory_space<hbm>> -> memref<128x128xf32, #tpu.memory_space<hbm>>
    tpu.enqueue_dma source(%arg13 : memref<128x128xf32, #tpu.memory_space<vmem>>) target(%dma_start3A_50 : memref<128x128xf32, #tpu.memory_space<hbm>>) target_semaphore(%arg19 : memref<!tpu.dma_semaphore, #tpu.memory_space<semaphore_mem>>)
    %dma_wait3A_51 = arith.constant 0 : i32
    %dma_wait3A_52 = tpu.memref_slice %arg6[%add3A_42, %dma_wait3A_51] : memref<16384x128xf32, #tpu.memory_space<hbm>> -> memref<128x128xf32, #tpu.memory_space<hbm>>
    %dma_wait3A_53 = arith.constant 0 : i32
    %dma_wait3A_54 = tpu.memref_slice %arg6[%add3A_42, %dma_wait3A_53] : memref<16384x128xf32, #tpu.memory_space<hbm>> -> memref<128x128xf32, #tpu.memory_space<hbm>>
    tpu.wait_dma2 semaphore(%arg19 : memref<!tpu.dma_semaphore, #tpu.memory_space<semaphore_mem>>) src(%arg10 : memref<128x128xf32, #tpu.memory_space<vmem>>) dst(%dma_wait3A_54 : memref<128x128xf32, #tpu.memory_space<hbm>>)
    %dma_wait3A_55 = arith.constant 0 : i32
    %dma_wait3A_56 = tpu.memref_slice %arg7[%add3A_42, %dma_wait3A_55] : memref<16384x128xf32, #tpu.memory_space<hbm>> -> memref<128x128xf32, #tpu.memory_space<hbm>>
    %dma_wait3A_57 = arith.constant 0 : i32
    %dma_wait3A_58 = tpu.memref_slice %arg7[%add3A_42, %dma_wait3A_57] : memref<16384x128xf32, #tpu.memory_space<hbm>> -> memref<128x128xf32, #tpu.memory_space<hbm>>
    tpu.wait_dma2 semaphore(%arg19 : memref<!tpu.dma_semaphore, #tpu.memory_space<semaphore_mem>>) src(%arg13 : memref<128x128xf32, #tpu.memory_space<vmem>>) dst(%dma_wait3A_58 : memref<128x128xf32, #tpu.memory_space<hbm>>)
    %dma_start3A_59 = arith.constant 384 : i32
    %dma_start3A_60 = tpu.memref_slice %arg8[%dma_start3A_59] : memref<512xi32, #tpu.memory_space<vmem>> -> memref<128xi32, #tpu.memory_space<vmem>>
    %dma_start3A_61 = arith.constant 0 : i32
    %dma_start3A_62 = arith.constant 0 : i32
    %dma_start3A_63 = tpu.memref_slice %arg4[%dma_start3A_61, %dma_start3A_62] : memref<100000x128xf32, #tpu.memory_space<hbm>> -> memref<100000x128xf32, #tpu.memory_space<hbm>>
    tpu.enqueue_indirect_dma source(%dma_start3A_63 : memref<100000x128xf32, #tpu.memory_space<hbm>>) target(%arg10 : memref<128x128xf32, #tpu.memory_space<vmem>>) offsets(%dma_start3A_60 : memref<128xi32, #tpu.memory_space<vmem>>) semaphore(%arg16 : memref<!tpu.dma_semaphore, #tpu.memory_space<semaphore_mem>>)
    %dma_start3A_64 = arith.constant 384 : i32
    %dma_start3A_65 = tpu.memref_slice %arg9[%dma_start3A_64] : memref<512xi32, #tpu.memory_space<vmem>> -> memref<128xi32, #tpu.memory_space<vmem>>
    %dma_start3A_66 = arith.constant 0 : i32
    %dma_start3A_67 = arith.constant 0 : i32
    %dma_start3A_68 = tpu.memref_slice %arg5[%dma_start3A_66, %dma_start3A_67] : memref<100000x128xf32, #tpu.memory_space<hbm>> -> memref<100000x128xf32, #tpu.memory_space<hbm>>
    tpu.enqueue_indirect_dma source(%dma_start3A_68 : memref<100000x128xf32, #tpu.memory_space<hbm>>) target(%arg13 : memref<128x128xf32, #tpu.memory_space<vmem>>) offsets(%dma_start3A_65 : memref<128xi32, #tpu.memory_space<vmem>>) semaphore(%arg16 : memref<!tpu.dma_semaphore, #tpu.memory_space<semaphore_mem>>)
    %dma_wait3A_69 = arith.constant 128 : i32
    %dma_wait3A_70 = tpu.memref_slice %arg8[%dma_wait3A_69] : memref<512xi32, #tpu.memory_space<vmem>> -> memref<128xi32, #tpu.memory_space<vmem>>
    %dma_wait3A_71 = arith.constant 0 : i32
    %dma_wait3A_72 = arith.constant 0 : i32
    %dma_wait3A_73 = tpu.memref_slice %arg4[%dma_wait3A_71, %dma_wait3A_72] : memref<100000x128xf32, #tpu.memory_space<hbm>> -> memref<100000x128xf32, #tpu.memory_space<hbm>>
    tpu.wait_indirect_dma semaphore(%arg17 : memref<!tpu.dma_semaphore, #tpu.memory_space<semaphore_mem>>) src(%dma_wait3A_73 : memref<100000x128xf32, #tpu.memory_space<hbm>>) dst(%arg11 : memref<128x128xf32, #tpu.memory_space<vmem>>)
    %dma_wait3A_74 = arith.constant 128 : i32
    %dma_wait3A_75 = tpu.memref_slice %arg9[%dma_wait3A_74] : memref<512xi32, #tpu.memory_space<vmem>> -> memref<128xi32, #tpu.memory_space<vmem>>
    %dma_wait3A_76 = arith.constant 0 : i32
    %dma_wait3A_77 = arith.constant 0 : i32
    %dma_wait3A_78 = tpu.memref_slice %arg5[%dma_wait3A_76, %dma_wait3A_77] : memref<100000x128xf32, #tpu.memory_space<hbm>> -> memref<100000x128xf32, #tpu.memory_space<hbm>>
    tpu.wait_indirect_dma semaphore(%arg17 : memref<!tpu.dma_semaphore, #tpu.memory_space<semaphore_mem>>) src(%dma_wait3A_78 : memref<100000x128xf32, #tpu.memory_space<hbm>>) dst(%arg14 : memref<128x128xf32, #tpu.memory_space<vmem>>)
    %add3A_79 = arith.constant 128 : i32
    %add3A_80 = arith.addi %mul3A_2, %add3A_79 : i32
    %dma_start3A_81 = arith.constant 0 : i32
    %dma_start3A_82 = tpu.memref_slice %arg6[%add3A_80, %dma_start3A_81] : memref<16384x128xf32, #tpu.memory_space<hbm>> -> memref<128x128xf32, #tpu.memory_space<hbm>>
    %dma_start3A_83 = arith.constant 0 : i32
    %dma_start3A_84 = tpu.memref_slice %arg6[%add3A_80, %dma_start3A_83] : memref<16384x128xf32, #tpu.memory_space<hbm>> -> memref<128x128xf32, #tpu.memory_space<hbm>>
    tpu.enqueue_dma source(%arg11 : memref<128x128xf32, #tpu.memory_space<vmem>>) target(%dma_start3A_84 : memref<128x128xf32, #tpu.memory_space<hbm>>) target_semaphore(%arg20 : memref<!tpu.dma_semaphore, #tpu.memory_space<semaphore_mem>>)
    %dma_start3A_85 = arith.constant 0 : i32
    %dma_start3A_86 = tpu.memref_slice %arg7[%add3A_80, %dma_start3A_85] : memref<16384x128xf32, #tpu.memory_space<hbm>> -> memref<128x128xf32, #tpu.memory_space<hbm>>
    %dma_start3A_87 = arith.constant 0 : i32
    %dma_start3A_88 = tpu.memref_slice %arg7[%add3A_80, %dma_start3A_87] : memref<16384x128xf32, #tpu.memory_space<hbm>> -> memref<128x128xf32, #tpu.memory_space<hbm>>
    tpu.enqueue_dma source(%arg14 : memref<128x128xf32, #tpu.memory_space<vmem>>) target(%dma_start3A_88 : memref<128x128xf32, #tpu.memory_space<hbm>>) target_semaphore(%arg20 : memref<!tpu.dma_semaphore, #tpu.memory_space<semaphore_mem>>)
    %dma_wait3A_89 = arith.constant 256 : i32
    %dma_wait3A_90 = tpu.memref_slice %arg8[%dma_wait3A_89] : memref<512xi32, #tpu.memory_space<vmem>> -> memref<128xi32, #tpu.memory_space<vmem>>
    %dma_wait3A_91 = arith.constant 0 : i32
    %dma_wait3A_92 = arith.constant 0 : i32
    %dma_wait3A_93 = tpu.memref_slice %arg4[%dma_wait3A_91, %dma_wait3A_92] : memref<100000x128xf32, #tpu.memory_space<hbm>> -> memref<100000x128xf32, #tpu.memory_space<hbm>>
    tpu.wait_indirect_dma semaphore(%arg18 : memref<!tpu.dma_semaphore, #tpu.memory_space<semaphore_mem>>) src(%dma_wait3A_93 : memref<100000x128xf32, #tpu.memory_space<hbm>>) dst(%arg12 : memref<128x128xf32, #tpu.memory_space<vmem>>)
    %dma_wait3A_94 = arith.constant 256 : i32
    %dma_wait3A_95 = tpu.memref_slice %arg9[%dma_wait3A_94] : memref<512xi32, #tpu.memory_space<vmem>> -> memref<128xi32, #tpu.memory_space<vmem>>
    %dma_wait3A_96 = arith.constant 0 : i32
    %dma_wait3A_97 = arith.constant 0 : i32
    %dma_wait3A_98 = tpu.memref_slice %arg5[%dma_wait3A_96, %dma_wait3A_97] : memref<100000x128xf32, #tpu.memory_space<hbm>> -> memref<100000x128xf32, #tpu.memory_space<hbm>>
    tpu.wait_indirect_dma semaphore(%arg18 : memref<!tpu.dma_semaphore, #tpu.memory_space<semaphore_mem>>) src(%dma_wait3A_98 : memref<100000x128xf32, #tpu.memory_space<hbm>>) dst(%arg15 : memref<128x128xf32, #tpu.memory_space<vmem>>)
    %add3A_99 = arith.constant 256 : i32
    %add3A_100 = arith.addi %mul3A_2, %add3A_99 : i32
    %dma_start3A_101 = arith.constant 0 : i32
    %dma_start3A_102 = tpu.memref_slice %arg6[%add3A_100, %dma_start3A_101] : memref<16384x128xf32, #tpu.memory_space<hbm>> -> memref<128x128xf32, #tpu.memory_space<hbm>>
    %dma_start3A_103 = arith.constant 0 : i32
    %dma_start3A_104 = tpu.memref_slice %arg6[%add3A_100, %dma_start3A_103] : memref<16384x128xf32, #tpu.memory_space<hbm>> -> memref<128x128xf32, #tpu.memory_space<hbm>>
    tpu.enqueue_dma source(%arg12 : memref<128x128xf32, #tpu.memory_space<vmem>>) target(%dma_start3A_104 : memref<128x128xf32, #tpu.memory_space<hbm>>) target_semaphore(%arg21 : memref<!tpu.dma_semaphore, #tpu.memory_space<semaphore_mem>>)
    %dma_start3A_105 = arith.constant 0 : i32
    %dma_start3A_106 = tpu.memref_slice %arg7[%add3A_100, %dma_start3A_105] : memref<16384x128xf32, #tpu.memory_space<hbm>> -> memref<128x128xf32, #tpu.memory_space<hbm>>
    %dma_start3A_107 = arith.constant 0 : i32
    %dma_start3A_108 = tpu.memref_slice %arg7[%add3A_100, %dma_start3A_107] : memref<16384x128xf32, #tpu.memory_space<hbm>> -> memref<128x128xf32, #tpu.memory_space<hbm>>
    tpu.enqueue_dma source(%arg15 : memref<128x128xf32, #tpu.memory_space<vmem>>) target(%dma_start3A_108 : memref<128x128xf32, #tpu.memory_space<hbm>>) target_semaphore(%arg21 : memref<!tpu.dma_semaphore, #tpu.memory_space<semaphore_mem>>)
    %dma_wait3A_109 = arith.constant 384 : i32
    %dma_wait3A_110 = tpu.memref_slice %arg8[%dma_wait3A_109] : memref<512xi32, #tpu.memory_space<vmem>> -> memref<128xi32, #tpu.memory_space<vmem>>
    %dma_wait3A_111 = arith.constant 0 : i32
    %dma_wait3A_112 = arith.constant 0 : i32
    %dma_wait3A_113 = tpu.memref_slice %arg4[%dma_wait3A_111, %dma_wait3A_112] : memref<100000x128xf32, #tpu.memory_space<hbm>> -> memref<100000x128xf32, #tpu.memory_space<hbm>>
    tpu.wait_indirect_dma semaphore(%arg16 : memref<!tpu.dma_semaphore, #tpu.memory_space<semaphore_mem>>) src(%dma_wait3A_113 : memref<100000x128xf32, #tpu.memory_space<hbm>>) dst(%arg10 : memref<128x128xf32, #tpu.memory_space<vmem>>)
    %dma_wait3A_114 = arith.constant 384 : i32
    %dma_wait3A_115 = tpu.memref_slice %arg9[%dma_wait3A_114] : memref<512xi32, #tpu.memory_space<vmem>> -> memref<128xi32, #tpu.memory_space<vmem>>
    %dma_wait3A_116 = arith.constant 0 : i32
    %dma_wait3A_117 = arith.constant 0 : i32
    %dma_wait3A_118 = tpu.memref_slice %arg5[%dma_wait3A_116, %dma_wait3A_117] : memref<100000x128xf32, #tpu.memory_space<hbm>> -> memref<100000x128xf32, #tpu.memory_space<hbm>>
    tpu.wait_indirect_dma semaphore(%arg16 : memref<!tpu.dma_semaphore, #tpu.memory_space<semaphore_mem>>) src(%dma_wait3A_118 : memref<100000x128xf32, #tpu.memory_space<hbm>>) dst(%arg13 : memref<128x128xf32, #tpu.memory_space<vmem>>)
    %add3A_119 = arith.constant 384 : i32
    %add3A_120 = arith.addi %mul3A_2, %add3A_119 : i32
    %dma_start3A_121 = arith.constant 0 : i32
    %dma_start3A_122 = tpu.memref_slice %arg6[%add3A_120, %dma_start3A_121] : memref<16384x128xf32, #tpu.memory_space<hbm>> -> memref<128x128xf32, #tpu.memory_space<hbm>>
    %dma_start3A_123 = arith.constant 0 : i32
    %dma_start3A_124 = tpu.memref_slice %arg6[%add3A_120, %dma_start3A_123] : memref<16384x128xf32, #tpu.memory_space<hbm>> -> memref<128x128xf32, #tpu.memory_space<hbm>>
    tpu.enqueue_dma source(%arg10 : memref<128x128xf32, #tpu.memory_space<vmem>>) target(%dma_start3A_124 : memref<128x128xf32, #tpu.memory_space<hbm>>) target_semaphore(%arg19 : memref<!tpu.dma_semaphore, #tpu.memory_space<semaphore_mem>>)
    %dma_start3A_125 = arith.constant 0 : i32
    %dma_start3A_126 = tpu.memref_slice %arg7[%add3A_120, %dma_start3A_125] : memref<16384x128xf32, #tpu.memory_space<hbm>> -> memref<128x128xf32, #tpu.memory_space<hbm>>
    %dma_start3A_127 = arith.constant 0 : i32
    %dma_start3A_128 = tpu.memref_slice %arg7[%add3A_120, %dma_start3A_127] : memref<16384x128xf32, #tpu.memory_space<hbm>> -> memref<128x128xf32, #tpu.memory_space<hbm>>
    tpu.enqueue_dma source(%arg13 : memref<128x128xf32, #tpu.memory_space<vmem>>) target(%dma_start3A_128 : memref<128x128xf32, #tpu.memory_space<hbm>>) target_semaphore(%arg19 : memref<!tpu.dma_semaphore, #tpu.memory_space<semaphore_mem>>)
    %dma_wait3A_129 = arith.constant 0 : i32
    %dma_wait3A_130 = tpu.memref_slice %arg6[%add3A_80, %dma_wait3A_129] : memref<16384x128xf32, #tpu.memory_space<hbm>> -> memref<128x128xf32, #tpu.memory_space<hbm>>
    %dma_wait3A_131 = arith.constant 0 : i32
    %dma_wait3A_132 = tpu.memref_slice %arg6[%add3A_80, %dma_wait3A_131] : memref<16384x128xf32, #tpu.memory_space<hbm>> -> memref<128x128xf32, #tpu.memory_space<hbm>>
    tpu.wait_dma2 semaphore(%arg20 : memref<!tpu.dma_semaphore, #tpu.memory_space<semaphore_mem>>) src(%arg11 : memref<128x128xf32, #tpu.memory_space<vmem>>) dst(%dma_wait3A_132 : memref<128x128xf32, #tpu.memory_space<hbm>>)
    %dma_wait3A_133 = arith.constant 0 : i32
    %dma_wait3A_134 = tpu.memref_slice %arg7[%add3A_80, %dma_wait3A_133] : memref<16384x128xf32, #tpu.memory_space<hbm>> -> memref<128x128xf32, #tpu.memory_space<hbm>>
    %dma_wait3A_135 = arith.constant 0 : i32
    %dma_wait3A_136 = tpu.memref_slice %arg7[%add3A_80, %dma_wait3A_135] : memref<16384x128xf32, #tpu.memory_space<hbm>> -> memref<128x128xf32, #tpu.memory_space<hbm>>
    tpu.wait_dma2 semaphore(%arg20 : memref<!tpu.dma_semaphore, #tpu.memory_space<semaphore_mem>>) src(%arg14 : memref<128x128xf32, #tpu.memory_space<vmem>>) dst(%dma_wait3A_136 : memref<128x128xf32, #tpu.memory_space<hbm>>)
    %dma_wait3A_137 = arith.constant 0 : i32
    %dma_wait3A_138 = tpu.memref_slice %arg6[%add3A_100, %dma_wait3A_137] : memref<16384x128xf32, #tpu.memory_space<hbm>> -> memref<128x128xf32, #tpu.memory_space<hbm>>
    %dma_wait3A_139 = arith.constant 0 : i32
    %dma_wait3A_140 = tpu.memref_slice %arg6[%add3A_100, %dma_wait3A_139] : memref<16384x128xf32, #tpu.memory_space<hbm>> -> memref<128x128xf32, #tpu.memory_space<hbm>>
    tpu.wait_dma2 semaphore(%arg21 : memref<!tpu.dma_semaphore, #tpu.memory_space<semaphore_mem>>) src(%arg12 : memref<128x128xf32, #tpu.memory_space<vmem>>) dst(%dma_wait3A_140 : memref<128x128xf32, #tpu.memory_space<hbm>>)
    %dma_wait3A_141 = arith.constant 0 : i32
    %dma_wait3A_142 = tpu.memref_slice %arg7[%add3A_100, %dma_wait3A_141] : memref<16384x128xf32, #tpu.memory_space<hbm>> -> memref<128x128xf32, #tpu.memory_space<hbm>>
    %dma_wait3A_143 = arith.constant 0 : i32
    %dma_wait3A_144 = tpu.memref_slice %arg7[%add3A_100, %dma_wait3A_143] : memref<16384x128xf32, #tpu.memory_space<hbm>> -> memref<128x128xf32, #tpu.memory_space<hbm>>
    tpu.wait_dma2 semaphore(%arg21 : memref<!tpu.dma_semaphore, #tpu.memory_space<semaphore_mem>>) src(%arg15 : memref<128x128xf32, #tpu.memory_space<vmem>>) dst(%dma_wait3A_144 : memref<128x128xf32, #tpu.memory_space<hbm>>)
    %dma_wait3A_145 = arith.constant 0 : i32
    %dma_wait3A_146 = tpu.memref_slice %arg6[%add3A_120, %dma_wait3A_145] : memref<16384x128xf32, #tpu.memory_space<hbm>> -> memref<128x128xf32, #tpu.memory_space<hbm>>
    %dma_wait3A_147 = arith.constant 0 : i32
    %dma_wait3A_148 = tpu.memref_slice %arg6[%add3A_120, %dma_wait3A_147] : memref<16384x128xf32, #tpu.memory_space<hbm>> -> memref<128x128xf32, #tpu.memory_space<hbm>>
    tpu.wait_dma2 semaphore(%arg19 : memref<!tpu.dma_semaphore, #tpu.memory_space<semaphore_mem>>) src(%arg10 : memref<128x128xf32, #tpu.memory_space<vmem>>) dst(%dma_wait3A_148 : memref<128x128xf32, #tpu.memory_space<hbm>>)
    %dma_wait3A_149 = arith.constant 0 : i32
    %dma_wait3A_150 = tpu.memref_slice %arg7[%add3A_120, %dma_wait3A_149] : memref<16384x128xf32, #tpu.memory_space<hbm>> -> memref<128x128xf32, #tpu.memory_space<hbm>>
    %dma_wait3A_151 = arith.constant 0 : i32
    %dma_wait3A_152 = tpu.memref_slice %arg7[%add3A_120, %dma_wait3A_151] : memref<16384x128xf32, #tpu.memory_space<hbm>> -> memref<128x128xf32, #tpu.memory_space<hbm>>
    tpu.wait_dma2 semaphore(%arg19 : memref<!tpu.dma_semaphore, #tpu.memory_space<semaphore_mem>>) src(%arg13 : memref<128x128xf32, #tpu.memory_space<vmem>>) dst(%dma_wait3A_152 : memref<128x128xf32, #tpu.memory_space<hbm>>)
    return
  }
}

#map = affine_map<(d0, d1) -> (0)>
#map1 = affine_map<(d0, d1) -> (0, 0)>
module attributes {stable_mosaic.version = 14 : i64} {
  func.func @k(%arg0: i32, %arg1: i32, %arg2: memref<16384xi32, #tpu.memory_space<hbm>>, %arg3: memref<16384xi32, #tpu.memory_space<hbm>>, %arg4: memref<50000x128xf32, #tpu.memory_space<hbm>>, %arg5: memref<50000x128xf32, #tpu.memory_space<hbm>>, %arg6: memref<16384x128xf32, #tpu.memory_space<hbm>>, %arg7: memref<16384x128xf32, #tpu.memory_space<hbm>>, %arg8: memref<512xi32, #tpu.memory_space<vmem>>, %arg9: memref<512xi32, #tpu.memory_space<vmem>>, %arg10: memref<128x128xf32, #tpu.memory_space<vmem>>, %arg11: memref<128x128xf32, #tpu.memory_space<vmem>>, %arg12: memref<128x128xf32, #tpu.memory_space<vmem>>, %arg13: memref<128x128xf32, #tpu.memory_space<vmem>>, %arg14: memref<128x128xf32, #tpu.memory_space<vmem>>, %arg15: memref<128x128xf32, #tpu.memory_space<vmem>>, %arg16: memref<!tpu.dma_semaphore, #tpu.memory_space<semaphore_mem>>, %arg17: memref<!tpu.dma_semaphore, #tpu.memory_space<semaphore_mem>>, %arg18: memref<!tpu.dma_semaphore, #tpu.memory_space<semaphore_mem>>, %arg19: memref<!tpu.dma_semaphore, #tpu.memory_space<semaphore_mem>>, %arg20: memref<!tpu.dma_semaphore, #tpu.memory_space<semaphore_mem>>, %arg21: memref<!tpu.dma_semaphore, #tpu.memory_space<semaphore_mem>>) attributes {dimension_semantics = [#tpu.dimension_semantics<core_parallel>, #tpu.dimension_semantics<subcore_parallel>], iteration_bounds = array<i64: 2, 16>, scalar_prefetch = 0 : i64, scratch_operands = 14 : i64, tpu.core_type = #tpu.core_type<sc_vector_subcore>, window_params = [{transform_indices = #map}, {transform_indices = #map}, {transform_indices = #map1}, {transform_indices = #map1}, {transform_indices = #map1}, {transform_indices = #map1}]} {
    %mul3A = arith.constant 2 : i32
    %mul3A_0 = arith.muli %arg1, %mul3A : i32
    %add3A = arith.addi %mul3A_0, %arg0 : i32
    %mul3A_1 = arith.constant 512 : i32
    %mul3A_2 = arith.muli %add3A, %mul3A_1 : i32
    "tpu.region"() ({
      %run_scoped3A = tpu.sem_alloc : memref<!tpu.dma_semaphore, #tpu.memory_space<semaphore_mem>>
      %dma_start3A_153 = tpu.memref_slice %arg2[%mul3A_2] : memref<16384xi32, #tpu.memory_space<hbm>> -> memref<512xi32, #tpu.memory_space<hbm>>
      %dma_start3A_154 = tpu.memref_slice %arg2[%mul3A_2] : memref<16384xi32, #tpu.memory_space<hbm>> -> memref<512xi32, #tpu.memory_space<hbm>>
      tpu.enqueue_dma source(%dma_start3A_154 : memref<512xi32, #tpu.memory_space<hbm>>) target(%arg8 : memref<512xi32, #tpu.memory_space<vmem>>) target_semaphore(%run_scoped3A : memref<!tpu.dma_semaphore, #tpu.memory_space<semaphore_mem>>)
      %dma_wait3A_155 = tpu.memref_slice %arg2[%mul3A_2] : memref<16384xi32, #tpu.memory_space<hbm>> -> memref<512xi32, #tpu.memory_space<hbm>>
      %dma_wait3A_156 = tpu.memref_slice %arg2[%mul3A_2] : memref<16384xi32, #tpu.memory_space<hbm>> -> memref<512xi32, #tpu.memory_space<hbm>>
      tpu.wait_dma2 semaphore(%run_scoped3A : memref<!tpu.dma_semaphore, #tpu.memory_space<semaphore_mem>>) src(%dma_wait3A_156 : memref<512xi32, #tpu.memory_space<hbm>>) dst(%arg8 : memref<512xi32, #tpu.memory_space<vmem>>)
      tpu.yield
    }) : () -> ()
    "tpu.region"() ({
      %run_scoped3A = tpu.sem_alloc : memref<!tpu.dma_semaphore, #tpu.memory_space<semaphore_mem>>
      %dma_start3A_153 = tpu.memref_slice %arg3[%mul3A_2] : memref<16384xi32, #tpu.memory_space<hbm>> -> memref<512xi32, #tpu.memory_space<hbm>>
      %dma_start3A_154 = tpu.memref_slice %arg3[%mul3A_2] : memref<16384xi32, #tpu.memory_space<hbm>> -> memref<512xi32, #tpu.memory_space<hbm>>
      tpu.enqueue_dma source(%dma_start3A_154 : memref<512xi32, #tpu.memory_space<hbm>>) target(%arg9 : memref<512xi32, #tpu.memory_space<vmem>>) target_semaphore(%run_scoped3A : memref<!tpu.dma_semaphore, #tpu.memory_space<semaphore_mem>>)
      %dma_wait3A_155 = tpu.memref_slice %arg3[%mul3A_2] : memref<16384xi32, #tpu.memory_space<hbm>> -> memref<512xi32, #tpu.memory_space<hbm>>
      %dma_wait3A_156 = tpu.memref_slice %arg3[%mul3A_2] : memref<16384xi32, #tpu.memory_space<hbm>> -> memref<512xi32, #tpu.memory_space<hbm>>
      tpu.wait_dma2 semaphore(%run_scoped3A : memref<!tpu.dma_semaphore, #tpu.memory_space<semaphore_mem>>) src(%dma_wait3A_156 : memref<512xi32, #tpu.memory_space<hbm>>) dst(%arg9 : memref<512xi32, #tpu.memory_space<vmem>>)
      tpu.yield
    }) : () -> ()
    %dma_start3A = arith.constant 0 : i32
    %dma_start3A_3 = tpu.memref_slice %arg8[%dma_start3A] : memref<512xi32, #tpu.memory_space<vmem>> -> memref<128xi32, #tpu.memory_space<vmem>>
    %dma_start3A_4 = arith.constant 0 : i32
    %dma_start3A_5 = arith.constant 0 : i32
    %dma_start3A_6 = tpu.memref_slice %arg4[%dma_start3A_4, %dma_start3A_5] : memref<50000x128xf32, #tpu.memory_space<hbm>> -> memref<50000x128xf32, #tpu.memory_space<hbm>>
    tpu.enqueue_indirect_dma source(%dma_start3A_6 : memref<50000x128xf32, #tpu.memory_space<hbm>>) target(%arg10 : memref<128x128xf32, #tpu.memory_space<vmem>>) offsets(%dma_start3A_3 : memref<128xi32, #tpu.memory_space<vmem>>) semaphore(%arg16 : memref<!tpu.dma_semaphore, #tpu.memory_space<semaphore_mem>>)
    %dma_start3A_7 = arith.constant 0 : i32
    %dma_start3A_8 = tpu.memref_slice %arg9[%dma_start3A_7] : memref<512xi32, #tpu.memory_space<vmem>> -> memref<128xi32, #tpu.memory_space<vmem>>
    %dma_start3A_9 = arith.constant 0 : i32
    %dma_start3A_10 = arith.constant 0 : i32
    %dma_start3A_11 = tpu.memref_slice %arg5[%dma_start3A_9, %dma_start3A_10] : memref<50000x128xf32, #tpu.memory_space<hbm>> -> memref<50000x128xf32, #tpu.memory_space<hbm>>
    tpu.enqueue_indirect_dma source(%dma_start3A_11 : memref<50000x128xf32, #tpu.memory_space<hbm>>) target(%arg13 : memref<128x128xf32, #tpu.memory_space<vmem>>) offsets(%dma_start3A_8 : memref<128xi32, #tpu.memory_space<vmem>>) semaphore(%arg16 : memref<!tpu.dma_semaphore, #tpu.memory_space<semaphore_mem>>)
    %dma_start3A_12 = arith.constant 128 : i32
    %dma_start3A_13 = tpu.memref_slice %arg8[%dma_start3A_12] : memref<512xi32, #tpu.memory_space<vmem>> -> memref<128xi32, #tpu.memory_space<vmem>>
    %dma_start3A_14 = arith.constant 0 : i32
    %dma_start3A_15 = arith.constant 0 : i32
    %dma_start3A_16 = tpu.memref_slice %arg4[%dma_start3A_14, %dma_start3A_15] : memref<50000x128xf32, #tpu.memory_space<hbm>> -> memref<50000x128xf32, #tpu.memory_space<hbm>>
    tpu.enqueue_indirect_dma source(%dma_start3A_16 : memref<50000x128xf32, #tpu.memory_space<hbm>>) target(%arg11 : memref<128x128xf32, #tpu.memory_space<vmem>>) offsets(%dma_start3A_13 : memref<128xi32, #tpu.memory_space<vmem>>) semaphore(%arg17 : memref<!tpu.dma_semaphore, #tpu.memory_space<semaphore_mem>>)
    %dma_start3A_17 = arith.constant 128 : i32
    %dma_start3A_18 = tpu.memref_slice %arg9[%dma_start3A_17] : memref<512xi32, #tpu.memory_space<vmem>> -> memref<128xi32, #tpu.memory_space<vmem>>
    %dma_start3A_19 = arith.constant 0 : i32
    %dma_start3A_20 = arith.constant 0 : i32
    %dma_start3A_21 = tpu.memref_slice %arg5[%dma_start3A_19, %dma_start3A_20] : memref<50000x128xf32, #tpu.memory_space<hbm>> -> memref<50000x128xf32, #tpu.memory_space<hbm>>
    tpu.enqueue_indirect_dma source(%dma_start3A_21 : memref<50000x128xf32, #tpu.memory_space<hbm>>) target(%arg14 : memref<128x128xf32, #tpu.memory_space<vmem>>) offsets(%dma_start3A_18 : memref<128xi32, #tpu.memory_space<vmem>>) semaphore(%arg17 : memref<!tpu.dma_semaphore, #tpu.memory_space<semaphore_mem>>)
    %dma_start3A_22 = arith.constant 256 : i32
    %dma_start3A_23 = tpu.memref_slice %arg8[%dma_start3A_22] : memref<512xi32, #tpu.memory_space<vmem>> -> memref<128xi32, #tpu.memory_space<vmem>>
    %dma_start3A_24 = arith.constant 0 : i32
    %dma_start3A_25 = arith.constant 0 : i32
    %dma_start3A_26 = tpu.memref_slice %arg4[%dma_start3A_24, %dma_start3A_25] : memref<50000x128xf32, #tpu.memory_space<hbm>> -> memref<50000x128xf32, #tpu.memory_space<hbm>>
    tpu.enqueue_indirect_dma source(%dma_start3A_26 : memref<50000x128xf32, #tpu.memory_space<hbm>>) target(%arg12 : memref<128x128xf32, #tpu.memory_space<vmem>>) offsets(%dma_start3A_23 : memref<128xi32, #tpu.memory_space<vmem>>) semaphore(%arg18 : memref<!tpu.dma_semaphore, #tpu.memory_space<semaphore_mem>>)
    %dma_start3A_27 = arith.constant 256 : i32
    %dma_start3A_28 = tpu.memref_slice %arg9[%dma_start3A_27] : memref<512xi32, #tpu.memory_space<vmem>> -> memref<128xi32, #tpu.memory_space<vmem>>
    %dma_start3A_29 = arith.constant 0 : i32
    %dma_start3A_30 = arith.constant 0 : i32
    %dma_start3A_31 = tpu.memref_slice %arg5[%dma_start3A_29, %dma_start3A_30] : memref<50000x128xf32, #tpu.memory_space<hbm>> -> memref<50000x128xf32, #tpu.memory_space<hbm>>
    tpu.enqueue_indirect_dma source(%dma_start3A_31 : memref<50000x128xf32, #tpu.memory_space<hbm>>) target(%arg15 : memref<128x128xf32, #tpu.memory_space<vmem>>) offsets(%dma_start3A_28 : memref<128xi32, #tpu.memory_space<vmem>>) semaphore(%arg18 : memref<!tpu.dma_semaphore, #tpu.memory_space<semaphore_mem>>)
    %dma_wait3A = arith.constant 0 : i32
    %dma_wait3A_32 = tpu.memref_slice %arg8[%dma_wait3A] : memref<512xi32, #tpu.memory_space<vmem>> -> memref<128xi32, #tpu.memory_space<vmem>>
    %dma_wait3A_33 = arith.constant 0 : i32
    %dma_wait3A_34 = arith.constant 0 : i32
    %dma_wait3A_35 = tpu.memref_slice %arg4[%dma_wait3A_33, %dma_wait3A_34] : memref<50000x128xf32, #tpu.memory_space<hbm>> -> memref<50000x128xf32, #tpu.memory_space<hbm>>
    tpu.wait_indirect_dma semaphore(%arg16 : memref<!tpu.dma_semaphore, #tpu.memory_space<semaphore_mem>>) src(%dma_wait3A_35 : memref<50000x128xf32, #tpu.memory_space<hbm>>) dst(%arg10 : memref<128x128xf32, #tpu.memory_space<vmem>>)
    %dma_wait3A_36 = arith.constant 0 : i32
    %dma_wait3A_37 = tpu.memref_slice %arg9[%dma_wait3A_36] : memref<512xi32, #tpu.memory_space<vmem>> -> memref<128xi32, #tpu.memory_space<vmem>>
    %dma_wait3A_38 = arith.constant 0 : i32
    %dma_wait3A_39 = arith.constant 0 : i32
    %dma_wait3A_40 = tpu.memref_slice %arg5[%dma_wait3A_38, %dma_wait3A_39] : memref<50000x128xf32, #tpu.memory_space<hbm>> -> memref<50000x128xf32, #tpu.memory_space<hbm>>
    tpu.wait_indirect_dma semaphore(%arg16 : memref<!tpu.dma_semaphore, #tpu.memory_space<semaphore_mem>>) src(%dma_wait3A_40 : memref<50000x128xf32, #tpu.memory_space<hbm>>) dst(%arg13 : memref<128x128xf32, #tpu.memory_space<vmem>>)
    %add3A_41 = arith.constant 0 : i32
    %add3A_42 = arith.addi %mul3A_2, %add3A_41 : i32
    %dma_start3A_43 = arith.constant 0 : i32
    %dma_start3A_44 = tpu.memref_slice %arg6[%add3A_42, %dma_start3A_43] : memref<16384x128xf32, #tpu.memory_space<hbm>> -> memref<128x128xf32, #tpu.memory_space<hbm>>
    %dma_start3A_45 = arith.constant 0 : i32
    %dma_start3A_46 = tpu.memref_slice %arg6[%add3A_42, %dma_start3A_45] : memref<16384x128xf32, #tpu.memory_space<hbm>> -> memref<128x128xf32, #tpu.memory_space<hbm>>
    tpu.enqueue_dma source(%arg10 : memref<128x128xf32, #tpu.memory_space<vmem>>) target(%dma_start3A_46 : memref<128x128xf32, #tpu.memory_space<hbm>>) target_semaphore(%arg19 : memref<!tpu.dma_semaphore, #tpu.memory_space<semaphore_mem>>)
    %dma_start3A_47 = arith.constant 0 : i32
    %dma_start3A_48 = tpu.memref_slice %arg7[%add3A_42, %dma_start3A_47] : memref<16384x128xf32, #tpu.memory_space<hbm>> -> memref<128x128xf32, #tpu.memory_space<hbm>>
    %dma_start3A_49 = arith.constant 0 : i32
    %dma_start3A_50 = tpu.memref_slice %arg7[%add3A_42, %dma_start3A_49] : memref<16384x128xf32, #tpu.memory_space<hbm>> -> memref<128x128xf32, #tpu.memory_space<hbm>>
    tpu.enqueue_dma source(%arg13 : memref<128x128xf32, #tpu.memory_space<vmem>>) target(%dma_start3A_50 : memref<128x128xf32, #tpu.memory_space<hbm>>) target_semaphore(%arg19 : memref<!tpu.dma_semaphore, #tpu.memory_space<semaphore_mem>>)
    %dma_wait3A_51 = arith.constant 0 : i32
    %dma_wait3A_52 = tpu.memref_slice %arg6[%add3A_42, %dma_wait3A_51] : memref<16384x128xf32, #tpu.memory_space<hbm>> -> memref<128x128xf32, #tpu.memory_space<hbm>>
    %dma_wait3A_53 = arith.constant 0 : i32
    %dma_wait3A_54 = tpu.memref_slice %arg6[%add3A_42, %dma_wait3A_53] : memref<16384x128xf32, #tpu.memory_space<hbm>> -> memref<128x128xf32, #tpu.memory_space<hbm>>
    tpu.wait_dma2 semaphore(%arg19 : memref<!tpu.dma_semaphore, #tpu.memory_space<semaphore_mem>>) src(%arg10 : memref<128x128xf32, #tpu.memory_space<vmem>>) dst(%dma_wait3A_54 : memref<128x128xf32, #tpu.memory_space<hbm>>)
    %dma_wait3A_55 = arith.constant 0 : i32
    %dma_wait3A_56 = tpu.memref_slice %arg7[%add3A_42, %dma_wait3A_55] : memref<16384x128xf32, #tpu.memory_space<hbm>> -> memref<128x128xf32, #tpu.memory_space<hbm>>
    %dma_wait3A_57 = arith.constant 0 : i32
    %dma_wait3A_58 = tpu.memref_slice %arg7[%add3A_42, %dma_wait3A_57] : memref<16384x128xf32, #tpu.memory_space<hbm>> -> memref<128x128xf32, #tpu.memory_space<hbm>>
    tpu.wait_dma2 semaphore(%arg19 : memref<!tpu.dma_semaphore, #tpu.memory_space<semaphore_mem>>) src(%arg13 : memref<128x128xf32, #tpu.memory_space<vmem>>) dst(%dma_wait3A_58 : memref<128x128xf32, #tpu.memory_space<hbm>>)
    %dma_start3A_59 = arith.constant 384 : i32
    %dma_start3A_60 = tpu.memref_slice %arg8[%dma_start3A_59] : memref<512xi32, #tpu.memory_space<vmem>> -> memref<128xi32, #tpu.memory_space<vmem>>
    %dma_start3A_61 = arith.constant 0 : i32
    %dma_start3A_62 = arith.constant 0 : i32
    %dma_start3A_63 = tpu.memref_slice %arg4[%dma_start3A_61, %dma_start3A_62] : memref<50000x128xf32, #tpu.memory_space<hbm>> -> memref<50000x128xf32, #tpu.memory_space<hbm>>
    tpu.enqueue_indirect_dma source(%dma_start3A_63 : memref<50000x128xf32, #tpu.memory_space<hbm>>) target(%arg10 : memref<128x128xf32, #tpu.memory_space<vmem>>) offsets(%dma_start3A_60 : memref<128xi32, #tpu.memory_space<vmem>>) semaphore(%arg16 : memref<!tpu.dma_semaphore, #tpu.memory_space<semaphore_mem>>)
    %dma_start3A_64 = arith.constant 384 : i32
    %dma_start3A_65 = tpu.memref_slice %arg9[%dma_start3A_64] : memref<512xi32, #tpu.memory_space<vmem>> -> memref<128xi32, #tpu.memory_space<vmem>>
    %dma_start3A_66 = arith.constant 0 : i32
    %dma_start3A_67 = arith.constant 0 : i32
    %dma_start3A_68 = tpu.memref_slice %arg5[%dma_start3A_66, %dma_start3A_67] : memref<50000x128xf32, #tpu.memory_space<hbm>> -> memref<50000x128xf32, #tpu.memory_space<hbm>>
    tpu.enqueue_indirect_dma source(%dma_start3A_68 : memref<50000x128xf32, #tpu.memory_space<hbm>>) target(%arg13 : memref<128x128xf32, #tpu.memory_space<vmem>>) offsets(%dma_start3A_65 : memref<128xi32, #tpu.memory_space<vmem>>) semaphore(%arg16 : memref<!tpu.dma_semaphore, #tpu.memory_space<semaphore_mem>>)
    %dma_wait3A_69 = arith.constant 128 : i32
    %dma_wait3A_70 = tpu.memref_slice %arg8[%dma_wait3A_69] : memref<512xi32, #tpu.memory_space<vmem>> -> memref<128xi32, #tpu.memory_space<vmem>>
    %dma_wait3A_71 = arith.constant 0 : i32
    %dma_wait3A_72 = arith.constant 0 : i32
    %dma_wait3A_73 = tpu.memref_slice %arg4[%dma_wait3A_71, %dma_wait3A_72] : memref<50000x128xf32, #tpu.memory_space<hbm>> -> memref<50000x128xf32, #tpu.memory_space<hbm>>
    tpu.wait_indirect_dma semaphore(%arg17 : memref<!tpu.dma_semaphore, #tpu.memory_space<semaphore_mem>>) src(%dma_wait3A_73 : memref<50000x128xf32, #tpu.memory_space<hbm>>) dst(%arg11 : memref<128x128xf32, #tpu.memory_space<vmem>>)
    %dma_wait3A_74 = arith.constant 128 : i32
    %dma_wait3A_75 = tpu.memref_slice %arg9[%dma_wait3A_74] : memref<512xi32, #tpu.memory_space<vmem>> -> memref<128xi32, #tpu.memory_space<vmem>>
    %dma_wait3A_76 = arith.constant 0 : i32
    %dma_wait3A_77 = arith.constant 0 : i32
    %dma_wait3A_78 = tpu.memref_slice %arg5[%dma_wait3A_76, %dma_wait3A_77] : memref<50000x128xf32, #tpu.memory_space<hbm>> -> memref<50000x128xf32, #tpu.memory_space<hbm>>
    tpu.wait_indirect_dma semaphore(%arg17 : memref<!tpu.dma_semaphore, #tpu.memory_space<semaphore_mem>>) src(%dma_wait3A_78 : memref<50000x128xf32, #tpu.memory_space<hbm>>) dst(%arg14 : memref<128x128xf32, #tpu.memory_space<vmem>>)
    %add3A_79 = arith.constant 128 : i32
    %add3A_80 = arith.addi %mul3A_2, %add3A_79 : i32
    %dma_start3A_81 = arith.constant 0 : i32
    %dma_start3A_82 = tpu.memref_slice %arg6[%add3A_80, %dma_start3A_81] : memref<16384x128xf32, #tpu.memory_space<hbm>> -> memref<128x128xf32, #tpu.memory_space<hbm>>
    %dma_start3A_83 = arith.constant 0 : i32
    %dma_start3A_84 = tpu.memref_slice %arg6[%add3A_80, %dma_start3A_83] : memref<16384x128xf32, #tpu.memory_space<hbm>> -> memref<128x128xf32, #tpu.memory_space<hbm>>
    tpu.enqueue_dma source(%arg11 : memref<128x128xf32, #tpu.memory_space<vmem>>) target(%dma_start3A_84 : memref<128x128xf32, #tpu.memory_space<hbm>>) target_semaphore(%arg20 : memref<!tpu.dma_semaphore, #tpu.memory_space<semaphore_mem>>)
    %dma_start3A_85 = arith.constant 0 : i32
    %dma_start3A_86 = tpu.memref_slice %arg7[%add3A_80, %dma_start3A_85] : memref<16384x128xf32, #tpu.memory_space<hbm>> -> memref<128x128xf32, #tpu.memory_space<hbm>>
    %dma_start3A_87 = arith.constant 0 : i32
    %dma_start3A_88 = tpu.memref_slice %arg7[%add3A_80, %dma_start3A_87] : memref<16384x128xf32, #tpu.memory_space<hbm>> -> memref<128x128xf32, #tpu.memory_space<hbm>>
    tpu.enqueue_dma source(%arg14 : memref<128x128xf32, #tpu.memory_space<vmem>>) target(%dma_start3A_88 : memref<128x128xf32, #tpu.memory_space<hbm>>) target_semaphore(%arg20 : memref<!tpu.dma_semaphore, #tpu.memory_space<semaphore_mem>>)
    %dma_wait3A_89 = arith.constant 256 : i32
    %dma_wait3A_90 = tpu.memref_slice %arg8[%dma_wait3A_89] : memref<512xi32, #tpu.memory_space<vmem>> -> memref<128xi32, #tpu.memory_space<vmem>>
    %dma_wait3A_91 = arith.constant 0 : i32
    %dma_wait3A_92 = arith.constant 0 : i32
    %dma_wait3A_93 = tpu.memref_slice %arg4[%dma_wait3A_91, %dma_wait3A_92] : memref<50000x128xf32, #tpu.memory_space<hbm>> -> memref<50000x128xf32, #tpu.memory_space<hbm>>
    tpu.wait_indirect_dma semaphore(%arg18 : memref<!tpu.dma_semaphore, #tpu.memory_space<semaphore_mem>>) src(%dma_wait3A_93 : memref<50000x128xf32, #tpu.memory_space<hbm>>) dst(%arg12 : memref<128x128xf32, #tpu.memory_space<vmem>>)
    %dma_wait3A_94 = arith.constant 256 : i32
    %dma_wait3A_95 = tpu.memref_slice %arg9[%dma_wait3A_94] : memref<512xi32, #tpu.memory_space<vmem>> -> memref<128xi32, #tpu.memory_space<vmem>>
    %dma_wait3A_96 = arith.constant 0 : i32
    %dma_wait3A_97 = arith.constant 0 : i32
    %dma_wait3A_98 = tpu.memref_slice %arg5[%dma_wait3A_96, %dma_wait3A_97] : memref<50000x128xf32, #tpu.memory_space<hbm>> -> memref<50000x128xf32, #tpu.memory_space<hbm>>
    tpu.wait_indirect_dma semaphore(%arg18 : memref<!tpu.dma_semaphore, #tpu.memory_space<semaphore_mem>>) src(%dma_wait3A_98 : memref<50000x128xf32, #tpu.memory_space<hbm>>) dst(%arg15 : memref<128x128xf32, #tpu.memory_space<vmem>>)
    %add3A_99 = arith.constant 256 : i32
    %add3A_100 = arith.addi %mul3A_2, %add3A_99 : i32
    %dma_start3A_101 = arith.constant 0 : i32
    %dma_start3A_102 = tpu.memref_slice %arg6[%add3A_100, %dma_start3A_101] : memref<16384x128xf32, #tpu.memory_space<hbm>> -> memref<128x128xf32, #tpu.memory_space<hbm>>
    %dma_start3A_103 = arith.constant 0 : i32
    %dma_start3A_104 = tpu.memref_slice %arg6[%add3A_100, %dma_start3A_103] : memref<16384x128xf32, #tpu.memory_space<hbm>> -> memref<128x128xf32, #tpu.memory_space<hbm>>
    tpu.enqueue_dma source(%arg12 : memref<128x128xf32, #tpu.memory_space<vmem>>) target(%dma_start3A_104 : memref<128x128xf32, #tpu.memory_space<hbm>>) target_semaphore(%arg21 : memref<!tpu.dma_semaphore, #tpu.memory_space<semaphore_mem>>)
    %dma_start3A_105 = arith.constant 0 : i32
    %dma_start3A_106 = tpu.memref_slice %arg7[%add3A_100, %dma_start3A_105] : memref<16384x128xf32, #tpu.memory_space<hbm>> -> memref<128x128xf32, #tpu.memory_space<hbm>>
    %dma_start3A_107 = arith.constant 0 : i32
    %dma_start3A_108 = tpu.memref_slice %arg7[%add3A_100, %dma_start3A_107] : memref<16384x128xf32, #tpu.memory_space<hbm>> -> memref<128x128xf32, #tpu.memory_space<hbm>>
    tpu.enqueue_dma source(%arg15 : memref<128x128xf32, #tpu.memory_space<vmem>>) target(%dma_start3A_108 : memref<128x128xf32, #tpu.memory_space<hbm>>) target_semaphore(%arg21 : memref<!tpu.dma_semaphore, #tpu.memory_space<semaphore_mem>>)
    %dma_wait3A_109 = arith.constant 384 : i32
    %dma_wait3A_110 = tpu.memref_slice %arg8[%dma_wait3A_109] : memref<512xi32, #tpu.memory_space<vmem>> -> memref<128xi32, #tpu.memory_space<vmem>>
    %dma_wait3A_111 = arith.constant 0 : i32
    %dma_wait3A_112 = arith.constant 0 : i32
    %dma_wait3A_113 = tpu.memref_slice %arg4[%dma_wait3A_111, %dma_wait3A_112] : memref<50000x128xf32, #tpu.memory_space<hbm>> -> memref<50000x128xf32, #tpu.memory_space<hbm>>
    tpu.wait_indirect_dma semaphore(%arg16 : memref<!tpu.dma_semaphore, #tpu.memory_space<semaphore_mem>>) src(%dma_wait3A_113 : memref<50000x128xf32, #tpu.memory_space<hbm>>) dst(%arg10 : memref<128x128xf32, #tpu.memory_space<vmem>>)
    %dma_wait3A_114 = arith.constant 384 : i32
    %dma_wait3A_115 = tpu.memref_slice %arg9[%dma_wait3A_114] : memref<512xi32, #tpu.memory_space<vmem>> -> memref<128xi32, #tpu.memory_space<vmem>>
    %dma_wait3A_116 = arith.constant 0 : i32
    %dma_wait3A_117 = arith.constant 0 : i32
    %dma_wait3A_118 = tpu.memref_slice %arg5[%dma_wait3A_116, %dma_wait3A_117] : memref<50000x128xf32, #tpu.memory_space<hbm>> -> memref<50000x128xf32, #tpu.memory_space<hbm>>
    tpu.wait_indirect_dma semaphore(%arg16 : memref<!tpu.dma_semaphore, #tpu.memory_space<semaphore_mem>>) src(%dma_wait3A_118 : memref<50000x128xf32, #tpu.memory_space<hbm>>) dst(%arg13 : memref<128x128xf32, #tpu.memory_space<vmem>>)
    %add3A_119 = arith.constant 384 : i32
    %add3A_120 = arith.addi %mul3A_2, %add3A_119 : i32
    %dma_start3A_121 = arith.constant 0 : i32
    %dma_start3A_122 = tpu.memref_slice %arg6[%add3A_120, %dma_start3A_121] : memref<16384x128xf32, #tpu.memory_space<hbm>> -> memref<128x128xf32, #tpu.memory_space<hbm>>
    %dma_start3A_123 = arith.constant 0 : i32
    %dma_start3A_124 = tpu.memref_slice %arg6[%add3A_120, %dma_start3A_123] : memref<16384x128xf32, #tpu.memory_space<hbm>> -> memref<128x128xf32, #tpu.memory_space<hbm>>
    tpu.enqueue_dma source(%arg10 : memref<128x128xf32, #tpu.memory_space<vmem>>) target(%dma_start3A_124 : memref<128x128xf32, #tpu.memory_space<hbm>>) target_semaphore(%arg19 : memref<!tpu.dma_semaphore, #tpu.memory_space<semaphore_mem>>)
    %dma_start3A_125 = arith.constant 0 : i32
    %dma_start3A_126 = tpu.memref_slice %arg7[%add3A_120, %dma_start3A_125] : memref<16384x128xf32, #tpu.memory_space<hbm>> -> memref<128x128xf32, #tpu.memory_space<hbm>>
    %dma_start3A_127 = arith.constant 0 : i32
    %dma_start3A_128 = tpu.memref_slice %arg7[%add3A_120, %dma_start3A_127] : memref<16384x128xf32, #tpu.memory_space<hbm>> -> memref<128x128xf32, #tpu.memory_space<hbm>>
    tpu.enqueue_dma source(%arg13 : memref<128x128xf32, #tpu.memory_space<vmem>>) target(%dma_start3A_128 : memref<128x128xf32, #tpu.memory_space<hbm>>) target_semaphore(%arg19 : memref<!tpu.dma_semaphore, #tpu.memory_space<semaphore_mem>>)
    %dma_wait3A_129 = arith.constant 0 : i32
    %dma_wait3A_130 = tpu.memref_slice %arg6[%add3A_80, %dma_wait3A_129] : memref<16384x128xf32, #tpu.memory_space<hbm>> -> memref<128x128xf32, #tpu.memory_space<hbm>>
    %dma_wait3A_131 = arith.constant 0 : i32
    %dma_wait3A_132 = tpu.memref_slice %arg6[%add3A_80, %dma_wait3A_131] : memref<16384x128xf32, #tpu.memory_space<hbm>> -> memref<128x128xf32, #tpu.memory_space<hbm>>
    tpu.wait_dma2 semaphore(%arg20 : memref<!tpu.dma_semaphore, #tpu.memory_space<semaphore_mem>>) src(%arg11 : memref<128x128xf32, #tpu.memory_space<vmem>>) dst(%dma_wait3A_132 : memref<128x128xf32, #tpu.memory_space<hbm>>)
    %dma_wait3A_133 = arith.constant 0 : i32
    %dma_wait3A_134 = tpu.memref_slice %arg7[%add3A_80, %dma_wait3A_133] : memref<16384x128xf32, #tpu.memory_space<hbm>> -> memref<128x128xf32, #tpu.memory_space<hbm>>
    %dma_wait3A_135 = arith.constant 0 : i32
    %dma_wait3A_136 = tpu.memref_slice %arg7[%add3A_80, %dma_wait3A_135] : memref<16384x128xf32, #tpu.memory_space<hbm>> -> memref<128x128xf32, #tpu.memory_space<hbm>>
    tpu.wait_dma2 semaphore(%arg20 : memref<!tpu.dma_semaphore, #tpu.memory_space<semaphore_mem>>) src(%arg14 : memref<128x128xf32, #tpu.memory_space<vmem>>) dst(%dma_wait3A_136 : memref<128x128xf32, #tpu.memory_space<hbm>>)
    %dma_wait3A_137 = arith.constant 0 : i32
    %dma_wait3A_138 = tpu.memref_slice %arg6[%add3A_100, %dma_wait3A_137] : memref<16384x128xf32, #tpu.memory_space<hbm>> -> memref<128x128xf32, #tpu.memory_space<hbm>>
    %dma_wait3A_139 = arith.constant 0 : i32
    %dma_wait3A_140 = tpu.memref_slice %arg6[%add3A_100, %dma_wait3A_139] : memref<16384x128xf32, #tpu.memory_space<hbm>> -> memref<128x128xf32, #tpu.memory_space<hbm>>
    tpu.wait_dma2 semaphore(%arg21 : memref<!tpu.dma_semaphore, #tpu.memory_space<semaphore_mem>>) src(%arg12 : memref<128x128xf32, #tpu.memory_space<vmem>>) dst(%dma_wait3A_140 : memref<128x128xf32, #tpu.memory_space<hbm>>)
    %dma_wait3A_141 = arith.constant 0 : i32
    %dma_wait3A_142 = tpu.memref_slice %arg7[%add3A_100, %dma_wait3A_141] : memref<16384x128xf32, #tpu.memory_space<hbm>> -> memref<128x128xf32, #tpu.memory_space<hbm>>
    %dma_wait3A_143 = arith.constant 0 : i32
    %dma_wait3A_144 = tpu.memref_slice %arg7[%add3A_100, %dma_wait3A_143] : memref<16384x128xf32, #tpu.memory_space<hbm>> -> memref<128x128xf32, #tpu.memory_space<hbm>>
    tpu.wait_dma2 semaphore(%arg21 : memref<!tpu.dma_semaphore, #tpu.memory_space<semaphore_mem>>) src(%arg15 : memref<128x128xf32, #tpu.memory_space<vmem>>) dst(%dma_wait3A_144 : memref<128x128xf32, #tpu.memory_space<hbm>>)
    %dma_wait3A_145 = arith.constant 0 : i32
    %dma_wait3A_146 = tpu.memref_slice %arg6[%add3A_120, %dma_wait3A_145] : memref<16384x128xf32, #tpu.memory_space<hbm>> -> memref<128x128xf32, #tpu.memory_space<hbm>>
    %dma_wait3A_147 = arith.constant 0 : i32
    %dma_wait3A_148 = tpu.memref_slice %arg6[%add3A_120, %dma_wait3A_147] : memref<16384x128xf32, #tpu.memory_space<hbm>> -> memref<128x128xf32, #tpu.memory_space<hbm>>
    tpu.wait_dma2 semaphore(%arg19 : memref<!tpu.dma_semaphore, #tpu.memory_space<semaphore_mem>>) src(%arg10 : memref<128x128xf32, #tpu.memory_space<vmem>>) dst(%dma_wait3A_148 : memref<128x128xf32, #tpu.memory_space<hbm>>)
    %dma_wait3A_149 = arith.constant 0 : i32
    %dma_wait3A_150 = tpu.memref_slice %arg7[%add3A_120, %dma_wait3A_149] : memref<16384x128xf32, #tpu.memory_space<hbm>> -> memref<128x128xf32, #tpu.memory_space<hbm>>
    %dma_wait3A_151 = arith.constant 0 : i32
    %dma_wait3A_152 = tpu.memref_slice %arg7[%add3A_120, %dma_wait3A_151] : memref<16384x128xf32, #tpu.memory_space<hbm>> -> memref<128x128xf32, #tpu.memory_space<hbm>>
    tpu.wait_dma2 semaphore(%arg19 : memref<!tpu.dma_semaphore, #tpu.memory_space<semaphore_mem>>) src(%arg13 : memref<128x128xf32, #tpu.memory_space<vmem>>) dst(%dma_wait3A_152 : memref<128x128xf32, #tpu.memory_space<hbm>>)
    return
  }
}

module attributes {stable_mosaic.version = 14 : i64} {
  func.func @_tc_body(%arg0: i32, %arg1: memref<2048x128xf32, #tpu.memory_space<vmem>>, %arg2: memref<2048x128xf32, #tpu.memory_space<vmem>>, %arg3: memref<2048x128xf32, #tpu.memory_space<vmem>>, %arg4: memref<2048x128xf32, #tpu.memory_space<vmem>>, %arg5: memref<2048x1xi32, #tpu.memory_space<vmem>>, %arg6: memref<2048x1xi32, #tpu.memory_space<vmem>>, %arg7: memref<128x64xf32, #tpu.memory_space<vmem>>, %arg8: memref<128x64xf32, #tpu.memory_space<vmem>>, %arg9: memref<1x64xf32, #tpu.memory_space<vmem>>, %arg10: memref<64x32xf32, #tpu.memory_space<vmem>>, %arg11: memref<1x32xf32, #tpu.memory_space<vmem>>, %arg12: memref<1x64xf32, #tpu.memory_space<vmem>>, %arg13: memref<1x32xf32, #tpu.memory_space<vmem>>, %arg14: memref<1xf32, #tpu.memory_space<smem>>, %arg15: memref<2048xf32, #tpu.memory_space<vmem>>) attributes {dimension_semantics = [#tpu.dimension_semantics<arbitrary>], iteration_bounds = array<i64: 8>, scalar_prefetch = 0 : i64, scratch_operands = 0 : i64, tpu.core_type = #tpu.core_type<tc>, window_params = [{transform_indices = @transform_0, window_bounds = array<i64: 2048, 128>}, {transform_indices = @transform_1, window_bounds = array<i64: 2048, 128>}, {transform_indices = @transform_2, window_bounds = array<i64: 2048, 128>}, {transform_indices = @transform_3, window_bounds = array<i64: 2048, 128>}, {transform_indices = @transform_4, window_bounds = array<i64: 2048, 1>}, {transform_indices = @transform_5, window_bounds = array<i64: 2048, 1>}, {pipeline_mode = #tpu.pipeline_mode<synchronous>, transform_indices = @transform_6, window_bounds = array<i64: 128, 64>}, {pipeline_mode = #tpu.pipeline_mode<synchronous>, transform_indices = @transform_7, window_bounds = array<i64: 128, 64>}, {pipeline_mode = #tpu.pipeline_mode<synchronous>, transform_indices = @transform_8, window_bounds = array<i64: 1, 64>}, {pipeline_mode = #tpu.pipeline_mode<synchronous>, transform_indices = @transform_9, window_bounds = array<i64: 64, 32>}, {pipeline_mode = #tpu.pipeline_mode<synchronous>, transform_indices = @transform_10, window_bounds = array<i64: 1, 32>}, {pipeline_mode = #tpu.pipeline_mode<synchronous>, transform_indices = @transform_11, window_bounds = array<i64: 1, 64>}, {pipeline_mode = #tpu.pipeline_mode<synchronous>, transform_indices = @transform_12, window_bounds = array<i64: 1, 32>}, {transform_indices = @transform_13, window_bounds = array<i64: 1>}, {transform_indices = @transform_14, window_bounds = array<i64: 2048>}]} {
    %get3A = arith.constant 0 : index
    %get3A_0 = arith.constant 0 : index
    %get3A_1 = vector.load %arg1[%get3A, %get3A_0] : memref<2048x128xf32, #tpu.memory_space<vmem>>, vector<2048x128xf32>
    %get3A_2 = arith.constant 0 : index
    %get3A_3 = arith.constant 0 : index
    %get3A_4 = vector.load %arg7[%get3A_2, %get3A_3] : memref<128x64xf32, #tpu.memory_space<vmem>>, vector<128x64xf32>
    %dot_general3A = arith.constant dense<0.000000e+00> : vector<2048x64xf32>
    %dot_general3A_5 = tpu.matmul %get3A_1, %get3A_4, %dot_general3A {dimension_numbers = #tpu.dot_dimension_numbers<[1], [0], [0], [1], [0, 0, 1, 1], [], []>, precision = #tpu.contract_precision<fp32>, transpose_lhs_hint = false} : vector<2048x128xf32>, vector<128x64xf32>, vector<2048x64xf32> -> vector<2048x64xf32>
    %get3A_6 = arith.constant 0 : index
    %get3A_7 = arith.constant 0 : index
    %get3A_8 = vector.load %arg2[%get3A_6, %get3A_7] : memref<2048x128xf32, #tpu.memory_space<vmem>>, vector<2048x128xf32>
    %get3A_9 = arith.constant 0 : index
    %get3A_10 = arith.constant 0 : index
    %get3A_11 = vector.load %arg8[%get3A_9, %get3A_10] : memref<128x64xf32, #tpu.memory_space<vmem>>, vector<128x64xf32>
    %dot_general3A_12 = arith.constant dense<0.000000e+00> : vector<2048x64xf32>
    %dot_general3A_13 = tpu.matmul %get3A_8, %get3A_11, %dot_general3A_12 {dimension_numbers = #tpu.dot_dimension_numbers<[1], [0], [0], [1], [0, 0, 1, 1], [], []>, precision = #tpu.contract_precision<fp32>, transpose_lhs_hint = false} : vector<2048x128xf32>, vector<128x64xf32>, vector<2048x64xf32> -> vector<2048x64xf32>
    %add3A = arith.addf %dot_general3A_5, %dot_general3A_13 : vector<2048x64xf32>
    %get3A_14 = arith.constant 0 : index
    %get3A_15 = arith.constant 0 : index
    %get3A_16 = vector.load %arg9[%get3A_14, %get3A_15] : memref<1x64xf32, #tpu.memory_space<vmem>>, vector<1x64xf32>
    %add3A_17 = vector.broadcast %get3A_16 : vector<1x64xf32> to vector<2048x64xf32>
    %add3A_18 = arith.addf %add3A, %add3A_17 : vector<2048x64xf32>
    %ge3A = arith.constant 0.000000e+00 : f32
    %ge3A_19 = vector.broadcast %ge3A : f32 to vector<2048x64xf32>
    %ge3A_20 = arith.cmpf oge, %add3A_18, %ge3A_19 : vector<2048x64xf32>
    %mul3A = arith.constant 1.000000e-01 : f32
    %mul3A_21 = vector.broadcast %mul3A : f32 to vector<2048x64xf32>
    %mul3A_22 = arith.mulf %mul3A_21, %add3A_18 : vector<2048x64xf32>
    %select_n3A = arith.select %ge3A_20, %add3A_18, %mul3A_22 : vector<2048x64xi1>, vector<2048x64xf32>
    %get3A_23 = arith.constant 0 : index
    %get3A_24 = arith.constant 0 : index
    %get3A_25 = vector.load %arg10[%get3A_23, %get3A_24] : memref<64x32xf32, #tpu.memory_space<vmem>>, vector<64x32xf32>
    %dot_general3A_26 = arith.constant dense<0.000000e+00> : vector<2048x32xf32>
    %dot_general3A_27 = tpu.matmul %select_n3A, %get3A_25, %dot_general3A_26 {dimension_numbers = #tpu.dot_dimension_numbers<[1], [0], [0], [1], [0, 0, 1, 1], [], []>, precision = #tpu.contract_precision<fp32>, transpose_lhs_hint = false} : vector<2048x64xf32>, vector<64x32xf32>, vector<2048x32xf32> -> vector<2048x32xf32>
    %get3A_28 = arith.constant 0 : index
    %get3A_29 = arith.constant 0 : index
    %get3A_30 = vector.load %arg11[%get3A_28, %get3A_29] : memref<1x32xf32, #tpu.memory_space<vmem>>, vector<1x32xf32>
    %add3A_31 = vector.broadcast %get3A_30 : vector<1x32xf32> to vector<2048x32xf32>
    %add3A_32 = arith.addf %dot_general3A_27, %add3A_31 : vector<2048x32xf32>
    %ge3A_33 = arith.constant 0.000000e+00 : f32
    %ge3A_34 = vector.broadcast %ge3A_33 : f32 to vector<2048x32xf32>
    %ge3A_35 = arith.cmpf oge, %add3A_32, %ge3A_34 : vector<2048x32xf32>
    %mul3A_36 = arith.constant 1.000000e-01 : f32
    %mul3A_37 = vector.broadcast %mul3A_36 : f32 to vector<2048x32xf32>
    %mul3A_38 = arith.mulf %mul3A_37, %add3A_32 : vector<2048x32xf32>
    %select_n3A_39 = arith.select %ge3A_35, %add3A_32, %mul3A_38 : vector<2048x32xi1>, vector<2048x32xf32>
    %get3A_40 = arith.constant 0 : index
    %get3A_41 = arith.constant 0 : index
    %get3A_42 = vector.load %arg3[%get3A_40, %get3A_41] : memref<2048x128xf32, #tpu.memory_space<vmem>>, vector<2048x128xf32>
    %get3A_43 = arith.constant 0 : index
    %get3A_44 = arith.constant 0 : index
    %get3A_45 = vector.load %arg4[%get3A_43, %get3A_44] : memref<2048x128xf32, #tpu.memory_space<vmem>>, vector<2048x128xf32>
    %get3A_46 = arith.constant 0 : index
    %get3A_47 = arith.constant 0 : index
    %get3A_48 = vector.load %arg5[%get3A_46, %get3A_47] : memref<2048x1xi32, #tpu.memory_space<vmem>>, vector<2048x1xi32>
    %gt3A = arith.constant 0 : i32
    %gt3A_49 = vector.broadcast %gt3A : i32 to vector<2048x1xi32>
    %gt3A_50 = arith.cmpi sgt, %get3A_48, %gt3A_49 : vector<2048x1xi32>
    %slice3A = vector.extract_strided_slice %get3A_42 {offsets = [0, 64], sizes = [2048, 64], strides = [1, 1]} : vector<2048x128xf32> to vector<2048x64xf32>
    %slice3A_51 = vector.extract_strided_slice %get3A_42 {offsets = [0, 0], sizes = [2048, 64], strides = [1, 1]} : vector<2048x128xf32> to vector<2048x64xf32>
    %broadcast_in_dim3A = vector.shape_cast %gt3A_50 : vector<2048x1xi1> to vector<2048x1xi1>
    %broadcast_in_dim3A_52 = vector.broadcast %broadcast_in_dim3A : vector<2048x1xi1> to vector<2048x64xi1>
    %select_n3A_53 = arith.select %broadcast_in_dim3A_52, %slice3A, %slice3A_51 : vector<2048x64xi1>, vector<2048x64xf32>
    %get3A_54 = arith.constant 0 : index
    %get3A_55 = arith.constant 0 : index
    %get3A_56 = vector.load %arg6[%get3A_54, %get3A_55] : memref<2048x1xi32, #tpu.memory_space<vmem>>, vector<2048x1xi32>
    %gt3A_57 = arith.constant 0 : i32
    %gt3A_58 = vector.broadcast %gt3A_57 : i32 to vector<2048x1xi32>
    %gt3A_59 = arith.cmpi sgt, %get3A_56, %gt3A_58 : vector<2048x1xi32>
    %slice3A_60 = vector.extract_strided_slice %get3A_45 {offsets = [0, 64], sizes = [2048, 64], strides = [1, 1]} : vector<2048x128xf32> to vector<2048x64xf32>
    %slice3A_61 = vector.extract_strided_slice %get3A_45 {offsets = [0, 0], sizes = [2048, 64], strides = [1, 1]} : vector<2048x128xf32> to vector<2048x64xf32>
    %broadcast_in_dim3A_62 = vector.shape_cast %gt3A_59 : vector<2048x1xi1> to vector<2048x1xi1>
    %broadcast_in_dim3A_63 = vector.broadcast %broadcast_in_dim3A_62 : vector<2048x1xi1> to vector<2048x64xi1>
    %select_n3A_64 = arith.select %broadcast_in_dim3A_63, %slice3A_60, %slice3A_61 : vector<2048x64xi1>, vector<2048x64xf32>
    %mul3A_65 = arith.mulf %select_n3A_53, %select_n3A_64 : vector<2048x64xf32>
    %get3A_66 = arith.constant 0 : index
    %get3A_67 = arith.constant 0 : index
    %get3A_68 = vector.load %arg12[%get3A_66, %get3A_67] : memref<1x64xf32, #tpu.memory_space<vmem>>, vector<1x64xf32>
    %mul3A_69 = vector.broadcast %get3A_68 : vector<1x64xf32> to vector<2048x64xf32>
    %mul3A_70 = arith.mulf %mul3A_65, %mul3A_69 : vector<2048x64xf32>
    %reduce_sum3A = arith.constant dense<0.000000e+00> : vector<2048xf32>
    %reduce_sum3A_71 = vector.multi_reduction <add>, %mul3A_70, %reduce_sum3A [1] : vector<2048x64xf32> to vector<2048xf32>
    %get3A_72 = arith.constant 0 : index
    %get3A_73 = arith.constant 0 : index
    %get3A_74 = vector.load %arg13[%get3A_72, %get3A_73] : memref<1x32xf32, #tpu.memory_space<vmem>>, vector<1x32xf32>
    %mul3A_75 = vector.broadcast %get3A_74 : vector<1x32xf32> to vector<2048x32xf32>
    %mul3A_76 = arith.mulf %select_n3A_39, %mul3A_75 : vector<2048x32xf32>
    %reduce_sum3A_77 = arith.constant dense<0.000000e+00> : vector<2048xf32>
    %reduce_sum3A_78 = vector.multi_reduction <add>, %mul3A_76, %reduce_sum3A_77 [1] : vector<2048x32xf32> to vector<2048xf32>
    %add3A_79 = arith.addf %reduce_sum3A_71, %reduce_sum3A_78 : vector<2048xf32>
    %get3A_80 = arith.constant 0 : index
    %get3A_81 = memref.load %arg14[%get3A_80] : memref<1xf32, #tpu.memory_space<smem>>
    %add3A_82 = vector.broadcast %get3A_81 : f32 to vector<2048xf32>
    %add3A_83 = arith.addf %add3A_79, %add3A_82 : vector<2048xf32>
    %swap3A = arith.constant 0 : index
    %swap3A_84 = vector.load %arg15[%swap3A] : memref<2048xf32, #tpu.memory_space<vmem>>, vector<2048xf32>
    tpu.vector_store %arg15[%swap3A], %add3A_83 {strides = array<i32>} : memref<2048xf32, #tpu.memory_space<vmem>>, vector<2048xf32>,
    return
  }
  func.func @transform_0(%arg0: i32) -> (i32, i32) {
    %c0_i32 = arith.constant 0 : i32
    %c0_i32_0 = arith.constant 0 : i32
    return %arg0, %c0_i32 : i32, i32
  }
  func.func @transform_1(%arg0: i32) -> (i32, i32) {
    %c0_i32 = arith.constant 0 : i32
    %c0_i32_0 = arith.constant 0 : i32
    return %arg0, %c0_i32 : i32, i32
  }
  func.func @transform_2(%arg0: i32) -> (i32, i32) {
    %c0_i32 = arith.constant 0 : i32
    %c0_i32_0 = arith.constant 0 : i32
    return %arg0, %c0_i32 : i32, i32
  }
  func.func @transform_3(%arg0: i32) -> (i32, i32) {
    %c0_i32 = arith.constant 0 : i32
    %c0_i32_0 = arith.constant 0 : i32
    return %arg0, %c0_i32 : i32, i32
  }
  func.func @transform_4(%arg0: i32) -> (i32, i32) {
    %c0_i32 = arith.constant 0 : i32
    %c0_i32_0 = arith.constant 0 : i32
    return %arg0, %c0_i32 : i32, i32
  }
  func.func @transform_5(%arg0: i32) -> (i32, i32) {
    %c0_i32 = arith.constant 0 : i32
    %c0_i32_0 = arith.constant 0 : i32
    return %arg0, %c0_i32 : i32, i32
  }
  func.func @transform_6(%arg0: i32) -> (i32, i32) {
    %c0_i32 = arith.constant 0 : i32
    %c0_i32_0 = arith.constant 0 : i32
    %c0_i32_1 = arith.constant 0 : i32
    return %c0_i32, %c0_i32_0 : i32, i32
  }
  func.func @transform_7(%arg0: i32) -> (i32, i32) {
    %c0_i32 = arith.constant 0 : i32
    %c0_i32_0 = arith.constant 0 : i32
    %c0_i32_1 = arith.constant 0 : i32
    return %c0_i32, %c0_i32_0 : i32, i32
  }
  func.func @transform_8(%arg0: i32) -> (i32, i32) {
    %c0_i32 = arith.constant 0 : i32
    %c0_i32_0 = arith.constant 0 : i32
    %c0_i32_1 = arith.constant 0 : i32
    return %c0_i32, %c0_i32_0 : i32, i32
  }
  func.func @transform_9(%arg0: i32) -> (i32, i32) {
    %c0_i32 = arith.constant 0 : i32
    %c0_i32_0 = arith.constant 0 : i32
    %c0_i32_1 = arith.constant 0 : i32
    return %c0_i32, %c0_i32_0 : i32, i32
  }
  func.func @transform_10(%arg0: i32) -> (i32, i32) {
    %c0_i32 = arith.constant 0 : i32
    %c0_i32_0 = arith.constant 0 : i32
    %c0_i32_1 = arith.constant 0 : i32
    return %c0_i32, %c0_i32_0 : i32, i32
  }
  func.func @transform_11(%arg0: i32) -> (i32, i32) {
    %c0_i32 = arith.constant 0 : i32
    %c0_i32_0 = arith.constant 0 : i32
    %c0_i32_1 = arith.constant 0 : i32
    return %c0_i32, %c0_i32_0 : i32, i32
  }
  func.func @transform_12(%arg0: i32) -> (i32, i32) {
    %c0_i32 = arith.constant 0 : i32
    %c0_i32_0 = arith.constant 0 : i32
    %c0_i32_1 = arith.constant 0 : i32
    return %c0_i32, %c0_i32_0 : i32, i32
  }
  func.func @transform_13(%arg0: i32) -> i32 {
    %c0_i32 = arith.constant 0 : i32
    %c0_i32_0 = arith.constant 0 : i32
    return %c0_i32 : i32
  }
  func.func @transform_14(%arg0: i32) -> i32 {
    %c0_i32 = arith.constant 0 : i32
    return %arg0 : i32
  }
}

</mosaic_0001>

<sc_bundles>
// kernel: kernel.5.cloned.1.call-start
scs
__scs_entry_jumppad:
0x0: {  	(pc) =	sbr.rel $0x88, $3  }
0x1: {  	(tag) =	ssettag $0x0;
	lr =	simm.s32 $0x1  }
0x2: {  	[smem:$0x3F8D] =	sst lr;
	_ =	strace $0xD0000000  }
0x3: {  	_ = 	snop  }
0x4: {  	_ = 	snop  }
0x5: {  	_ = 	snop  }
0x6: {  	_ = 	snop  }
0x7: {  	_ = 	snop  }
__scs_overlays_trampoline_lowered:
0x8: {  	[smem:$0x3F9C] =	sst s0  }
0x9: {  	[smem:$0x3F9D] =	sst s1  }
0xa: {  	[smem:$0x3F9E] =	sst s2  }
0xb: {  	[smem:$0x3F9F] =	sst s3  }
0xc: {  	[smem:$0x3FA0] =	sst s4  }
0xd: {  	[smem:$0x3FA1] =	sst s5  }
0xe: {  	[smem:$0x3FA2] =	sst s6  }
0xf: {  	[smem:$0x3FA3] =	sst s7  }
0x10: {  	[smem:$0x3FA4] =	sst s8  }
0x11: {  	[smem:$0x3FA5] =	sst s9;
	s0 =	simm.s32 @!p0 $0x0  }
0x12: {  	s1 =	sld [smem:$0x3F8B];
	s0 =	simm.s32 @p0 $0x1  }
0x13: {  	[smem:$0x3FA6] =	sst s0;
	s0 =	simm.s32 @!p1 $0x0  }
0x14: {  	s2 =	sld [smem:$0x3F8A];
	s0 =	simm.s32 @p1 $0x1  }
0x15: {  	[smem:$0x3FA7] =	sst s0;
	s0 =	simm.s32 @!p2 $0x0  }
0x16: {  	s3 =	sld [smem:$0x3FDB];
	s0 =	simm.s32 @p2 $0x1  }
0x17: {  	s4 =	simm.s32 $0x1BF5;
	[smem:$0x3FA9] =	sst s0  }
0x18: {  	s0 =	sld [smem:$0x3F8C];
	_ =	swait.ge [sflag:s4], $0x0  }
0x19: {  	s7 =	sld [smem:$0x3F8D]  }
0x1a: {  	s8 =	sadd.s32 $0xFFFFE003, lr  }
0x1b: {  	s9 =	sadd.s32 $0xFFFFFEF7, lr;
	s5 =	simm.s32 $0xFFFFFFFF;
	p2 =	slt.u32 s8, $0xFFFFF086  }
0x1c: {  	p1 =	slt.u32 s9, $0xF7A;
	s5 =	simm.s32 @!p2 $0x0  }
0x1d: {  	s5 =	simm.s32 @p1 $0x1;
	p0 =	seq.s32 s7, s2  }
0x1e: {  	s7 =	smul.u32 @!p0 $0xF7A, s2;
	p2 =	seq.s32 @!p0 s5, $0x0  }
0x1f: {  	s9 =	smul.u32 $0xF7A, s1;
	s8 =	simm.s32 @!p0 $0x1BF5;
	p2 =	por !p2, p0  }
0x20: {  	[sflag:s8] =	ssyncset.s32 @!p0 $0xFFFFF086;
	s6 =	sadd.s32 @!p0 s3, s7;
	s7 =	simm.s32 @!p0 $0x108  }
0x21: {  	s3 =	sadd.s32 s3, s9;
	s6 =	sadd.s32 @!p0 $0x88, s6;
	s7 =	simm.s32 @p2 $0x1082  }
0x22: {  	[simem:s7], [sflag:s8] =	dma.local @!p0 [hbm:s6], $0xF7A  }
0x23: {  	s9 =	sor.u32 $0xD0000000, s2;
	s6 =	simm.s32 $0x108;
	_ =	swait.ge @!p0 [sflag:s8], $0x0  }
0x24: {  	s3 =	sadd.s32 $0x88, s3;
	s6 =	simm.s32 @!p1 $0x1082;
	[sflag:s4] =	ssyncset.s32 $0xFFFFF086  }
0x25: {  	[simem:s6], [sflag:s4] =	dma.local [hbm:s3], $0xF7A  }
0x26: {  	[smem:$0x3F8D] =	sst s1;
	(tag) =	ssettag s2;
	_ =	strace s9  }
0x27: {  	s1 =	sld [smem:$0x3F9D]  }
0x28: {  	s2 =	sld [smem:$0x3F9E]  }
0x29: {  	s4 =	sld [smem:$0x3FA0]  }
0x2a: {  	p0 =	seq.s32 s5, $0x0;
	s5 =	sld [smem:$0x3FA1]  }
0x2b: {  	s6 =	sld [smem:$0x3FA2]  }
0x2c: {  	s7 =	sld [smem:$0x3FA3]  }
0x2d: {  	s3 =	simm.s32 $0x108;
	s8 =	sld [smem:$0x3FA4]  }
0x2e: {  	s3 =	simm.s32 @!p0 $0x1082;
	s9 =	sld [smem:$0x3FA5]  }
0x2f: {  	lr =	sadd.s32 s0, s3;
	s0 =	sld [smem:$0x3F9C]  }
0x30: {  	s3 =	sld [smem:$0x3F9F]  }
0x31: {  	[smem:$0x3FA8] =	sst s10  }
0x32: {  	s10 =	sld [smem:$0x3FA6];
	_ =	sdelay $0x3  }
0x33: {  	p0 =	seq.s32 s10, $0x1;
	s10 =	sld [smem:$0x3FA8];
	_ =	sdelay $0x3  }
0x34: {  	[smem:$0x3FA8] =	sst s10  }
0x35: {  	s10 =	sld [smem:$0x3FA7];
	_ =	sdelay $0x3  }
0x36: {  	p1 =	seq.s32 s10, $0x1;
	s10 =	sld [smem:$0x3FA8];
	_ =	sdelay $0x3  }
0x37: {  	[smem:$0x3FA8] =	sst s10  }
0x38: {  	s10 =	sld [smem:$0x3FA9]  }
0x39: {  	_ = 	snop;
	(pc) =	sbr.ind lr, $3  }
0x3a: {  	_ = 	snop  }
0x3b: {  	_ = 	snop  }
0x3c: {  	p2 =	seq.s32 s10, $0x1;
	s10 =	sld [smem:$0x3FA8]  }
0x3d: {  	_ =	shalt  }
0x3e: {  	_ =	shalt  }
0x3f: {  	_ =	shalt  }
0x40: {  	_ =	shalt  }
0x41: {  	_ =	shalt  }
0x42: {  	_ =	shalt  }
0x43: {  	_ =	shalt  }
0x44: {  	_ =	shalt  }
0x45: {  	_ =	shalt  }
0x46: {  	_ =	shalt  }
0x47: {  	_ =	shalt  }
0x48: {  	_ =	shalt  }
0x49: {  	_ =	shalt  }
0x4a: {  	_ =	shalt  }
0x4b: {  	_ =	shalt  }
0x4c: {  	_ =	shalt  }
0x4d: {  	_ =	shalt  }
0x4e: {  	_ =	shalt  }
0x4f: {  	_ =	shalt  }
0x50: {  	_ =	shalt  }
0x51: {  	_ =	shalt  }
0x52: {  	_ =	shalt  }
0x53: {  	_ =	shalt  }
0x54: {  	_ =	shalt  }
0x55: {  	_ =	shalt  }
0x56: {  	_ =	shalt  }
0x57: {  	_ =	shalt  }
0x58: {  	_ =	shalt  }
0x59: {  	_ =	shalt  }
0x5a: {  	_ =	shalt  }
0x5b: {  	_ =	shalt  }
0x5c: {  	_ =	shalt  }
0x5d: {  	_ =	shalt  }
0x5e: {  	_ =	shalt  }
0x5f: {  	_ =	shalt  }
0x60: {  	_ =	shalt  }
0x61: {  	_ =	shalt  }
0x62: {  	_ =	shalt  }
0x63: {  	_ =	shalt  }
0x64: {  	_ =	shalt  }
0x65: {  	_ =	shalt  }
0x66: {  	_ =	shalt  }
0x67: {  	_ =	shalt  }
0x68: {  	_ =	shalt  }
0x69: {  	_ =	shalt  }
0x6a: {  	_ =	shalt  }
0x6b: {  	_ =	shalt  }
0x6c: {  	_ =	shalt  }
0x6d: {  	_ =	shalt  }
0x6e: {  	_ =	shalt  }
0x6f: {  	_ =	shalt  }
0x70: {  	_ =	shalt  }
0x71: {  	_ =	shalt  }
0x72: {  	_ =	shalt  }
0x73: {  	_ =	shalt  }
0x74: {  	_ =	shalt  }
0x75: {  	_ =	shalt  }
0x76: {  	_ =	shalt  }
0x77: {  	_ =	shalt  }
0x78: {  	_ =	shalt  }
0x79: {  	_ =	shalt  }
0x7a: {  	_ =	shalt  }
0x7b: {  	_ =	shalt  }
0x7c: {  	_ =	shalt  }
0x7d: {  	_ =	shalt  }
0x7e: {  	_ =	shalt  }
0x7f: {  	_ =	shalt  }
0x80: {  	_ =	shalt  }
0x81: {  	_ =	shalt  }
0x82: {  	_ =	shalt  }
0x83: {  	_ =	shalt  }
0x84: {  	_ =	shalt  }
0x85: {  	_ =	shalt  }
0x86: {  	_ =	shalt  }
0x87: {  	_ =	shalt  }
.Lfunc_end0:
.L_simem_size_0:
called_computation_lowered:
.L_overlay_start_0:
0x88: {  	s2 =	sld [smem:$0x3FD9]  }
0x89: {  	s3 =	sld [smem:$0x3FFE];
	_ =	sdelay $0x1  }
0x8a: {  	s1 =	srdreg.scid  }
0x8b: {  	s0 =	sand.u32 $0x1, s1  }
0x8c: {  	s17 =	sshll.u32 s0, $0xA;
	s2 =	sadd.s32 s3, s2  }
0x8d: {  	s2 =	sadd.s32 s2, s17  }
0x8e: {  	[smem:$0x3FB4] =	sst s2  }
0x8f: {  	_ = 	snop  }
0x90: {  	s18 =	sld [smem:$0x3FC9]  }
0x91: {  	s4 =	sld [smem:$0x3FC8]  }
0x92: {  	s5 =	sld [smem:$0x3FC5]  }
0x93: {  	s6 =	sld [smem:$0x3FC4];
	(tm) =	ssettm $0x1  }
0x94: {  	s19 =	sld [smem:$0x3FFB];
	_ =	sdelay $0x3  }
0x95: {  	_ =	strace s19  }
0x96: {  	s2 =	sld [smem:$0x3FFC];
	_ =	sdelay $0x3  }
0x97: {  	_ =	strace s2  }
0x98: {  	s2 =	sld [smem:$0x3FFD];
	_ =	sdelay $0x3  }
0x99: {  	_ =	strace s2  }
0x9a: {  	_ =	strace $0x8FFFFFFF  }
0x9b: {  	s20 =	sld [smem:$0x3FDB];
	_ =	sdelay $0x1  }
0x9c: {  	s7 =	simm.s32 $_scs_section_size  }
0x9d: {  	s8 =	simm.s32 $_size__tile_overlayer_lowered;
	s9 =	simm.s32 $_tile_overlayer_lowered  }
0x9e: {  	s10 =	simm.s32 $0x1BFF;
	s21 =	sshll.u32 s9, $0x1;
	s7 =	sadd.s32 s7, s20  }
0x9f: {  	s22 =	simm.s32 $0x0;
	s8 =	sshll.u32 s8, $0x1;
	s9 =	sadd.s32 s21, s7  }
0xa0: {  	[timem:s22], [sflag:s10] =	dma.local [hbm:s9], s8  }
0xa1: {  	_ =	swait.ge [sflag:s10], s8  }
0xa2: {  	s8 =	ssub.s32 $0x0, s8;
	[sflag:s10] =	ssyncset.done $0x0  }
0xa3: {  	[sflag:s10] =	ssyncadd.s32 s8;
	_ =	sdelay $0x1  }
0xa4: {  	s23 =	simm.s32 $0x1B8B  }
0xa5: {  	_ =	swait.ge [sflag:s23], $0x1  }
0xa6: {  	[sflag:s23] =	ssyncset.done $0x0  }
0xa7: {  	[sflag:s23] =	ssyncadd.s32 $0xFFFFFFFF  }
0xa8: {  	s8 =	sld [smem:$0x0]  }
0xa9: {  	s9 =	sand.u32 $0xFFFFFFFE, s1  }
0xaa: {  	p0 =	sne.s32 s1, s9  }
0xab: {  	s9 =	sshll.u32 @p0 s9, $0xE  }
0xac: {  	s9 =	sadd.s32 @p0 $0x11B8D, s9;
	s10 =	sshll.u32 @p0 s8, $0x11  }
0xad: {  	s9 =	sor.u32 @p0 s10, s9  }
0xae: {  	[sflag:s9] =	ssyncadd.remote.s32 @p0 $0x1;
	_ =	sdelay $0x1  }
0xaf: {  	s9 =	simm.s32 @p0 $0x1B8D  }
0xb0: {  	_ =	swait.eq @p0 [sflag:s9], $0x1  }
0xb1: {  	[sflag:s9] =	ssyncadd.s32 @p0 $0xFFFFFFFF  }
0xb2: {  	s10 =	sshll.u32 @!p0 s1, $0xE  }
0xb3: {  	s10 =	sor.u32 @!p0 $0x4000, s10;
	s9 =	simm.s32 @!p0 $0x1B8D  }
0xb4: {  	s8 =	sshll.u32 @!p0 s8, $0x11;
	s10 =	sadd.s32 @!p0 $0x11B8D, s10;
	_ =	swait.eq @!p0 [sflag:s9], $0x1  }
0xb5: {  	s8 =	sor.u32 @!p0 s8, s10;
	[sflag:s9] =	ssyncadd.s32 @!p0 $0xFFFFFFFF  }
0xb6: {  	s25 =	simm.s32 $0x1B8E;
	s24 =	sld [smem:$0x3FFE];
	[sflag:s8] =	ssyncadd.remote.s32 @!p0 $0x1  }
0xb7: {  	s26 =	simm.s32 $execute0_lowered;
	[smem:$0x3FD2] =	sst s25  }
0xb8: {  	s9 =	sshll.u32 s26, $0x1;
	_ =	strace $0x80000049;
	[dreg:$0x1] =	wrdreg $0xFFFFFFFF  }
0xb9: {  	s28 =	simm.s32 $_size_execute0_lowered;
	s7 =	sadd.s32 s7, s9;
	[dreg:$0x0] =	wrdreg $0x0  }
0xba: {  	s9 =	sshll.u32 s28, $0x1;
	[dreg:$0x2] =	wrdreg s7  }
0xbb: {  	[dreg:$0x3] =	wrdreg s9  }
0xbc: {  	[dreg:$0x4] =	wrdreg $0xC0  }
0xbd: {  	_ =	task [dreg:s22], $0x5FFFF  }
0xbe: {  	[dreg:$0x1] =	wrdreg $0xFFFFFFFF  }
0xbf: {  	[dreg:$0x0] =	wrdreg $0x60  }
0xc0: {  	[dreg:$0x2] =	wrdreg s18  }
0xc1: {  	[dreg:$0x3] =	wrdreg s4  }
0xc2: {  	[dreg:$0x4] =	wrdreg s5  }
0xc3: {  	[dreg:$0x5] =	wrdreg s6  }
0xc4: {  	[dreg:$0x6] =	wrdreg s24  }
0xc5: {  	[dreg:$0x7] =	wrdreg $0x9  }
0xc6: {  	_ =	task.clear_ibuf [dreg:s22], $0x8FFFF;
	_ =	strace $0x90000049  }
0xc7: {  	s29 =	simm.s32 $0x9;
	_ =	strace $0x8000004B  }
0xc8: {  	_ =	swait.ge [sflag:s29], $0x1  }
0xc9: {  	[sflag:s29] =	ssyncadd.s32 $0xFFFFFFFF  }
0xca: {  	_ =	strace $0x9000004B  }
0xcb: {  	_ =	sfence  }
0xcc: {  	s30 =	sld [smem:$0x0];
	_ =	sdelay $0x2  }
0xcd: {  	s31 =	sshll.u32 s1, $0xD;
	s1 =	sshrl.u32 s1, $0x2  }
0xce: {  	s4 =	sand.u32 $0x4000, s31;
	s1 =	sadd.s32 s1, s30  }
0xcf: {  	s0 =	sor.u32 s4, s0;
	s1 =	sshll.u32 s1, $0x11  }
0xd0: {  	s0 =	sor.u32 s1, s0  }
0xd1: {  	s0 =	sadd.s32 $0x8F2B, s0  }
0xd2: {  	[sflag:s0] =	ssyncadd.remote.s32 $0x1  }
0xd3: {  	_ =	sfence.sel $0xFFFF  }
0xd4: {  	[dreg:$0x0] =	wrdreg $0xFFFFFFFF;
	(pc) =	sbr.abs _section_cstart, $3  }
0xd5: {  	[dreg:$0x1] =	wrdreg $0xFFFFFFFF  }
0xd6: {  	_ =	task.clear_ibuf [dreg:s22], $0x2FFFF;
	_ =	strace $0x9FFFFFFF  }
0xd7: {  	(tm) =	ssettm $0x7FFFFFFF  }
tec
execute0_lowered:
.L_overlay_start_1:
0x0: {  	(tag) =	ssettag $0x1  }
0x1: {  	s0 =	rddreg [dreg:$0x0]  }
0x2: {  	s1 =	rddreg [dreg:$0x1]  }
0x3: {  	s3 =	rddreg [dreg:$0x2]  }
0x4: {  	s4 =	rddreg [dreg:$0x3]  }
0x5: {  	s5 =	rddreg [dreg:$0x4]  }
0x6: {  	s2 =	srdreg.scid;
	s24 =	rddreg [dreg:$0x5]  }
0x7: {  	s7 =	stileid.u32;
	s28 =	simm.s32 $0x7;
	s26 =	simm.s32 $0x200  }
0x8: {  	s31 =	simm.s32 $0x100;
	s30 =	simm.s32 $0x300;
	s15 =	simm.s32 $0x1  }
0x9: {  	p0 =	por $0x0, $0x0;
	s29 =	simm.s32 $0x380;
	s14 =	simm.s32 $0x6  }
0xa: {  	s6 =	sand.u32 $0x1, s2;
	s2 =	simm.s32 $0x0;
	s7 =	sshll.u32 s7, $0xA  }
0xb: {  	s10 =	sadd.s32 $0x85E00, s5;
	s5 =	sadd.s32 $0xC5E00, s5;
	s8 =	sshll.u32 s6, $0x9  }
0xc: {  	[smem:$0x7FF] =	sst s2;
	s6 =	ssub.s32 $0x2, s6;
	s7 =	sor.u32 s8, s7  }
0xd: {  	_ =	strace $0x8000004A;
	s19 =	sshrl.u32 s6, $0x1;
	s8 =	sshrl.u32 s7, $0x3  }
0xe: {  	s17 =	sshll.u32 s7, $0x4;
	s11 =	ssub.s32 s6, s19;
	s19 =	simm.s32 $0x4400  }
0xf: {  	s0 =	sadd.s32 s0, s8;
	s16 =	sadd.s32 s1, s8;
	s18 =	sadd.s32 s10, s17  }
0x10: {  	s20 =	sadd.s32 s5, s17;
	s21 =	sor.u32 $0x800, s17;
	[dreg:$0x6] =	wrdreg s0  }
0x11: {  	s22 =	sor.u32 $0x1000, s17;
	s23 =	sor.u32 $0x1800, s17;
	[dreg:$0x7] =	wrdreg s16  }
0x12: {  	s25 =	smax.u32 s11, $0x1;
	s11 =	simm.s32 $0xC400;
	[dreg:$0x8] =	wrdreg s18  }
0x13: {  	s17 =	simm.s32 $0x8400;
	[dreg:$0x9] =	wrdreg s20;
	s12 =	sadd.s32 s10, s21  }
0x14: {  	s13 =	sadd.s32 s5, s21;
	s8 =	sadd.s32 s10, s22;
	p1 =	sne.s32 s25, $0x1  }
.Ltmp0:
0x15: {  	s9 =	sadd.s32 s5, s22;
	s6 =	sadd.s32 s10, s23;
	(pc) =	sbr.rel @!p1 .LBB2_1-.Ltmp0, $4  }
0x16: {  	s7 =	sadd.s32 s5, s23;
	s21 =	simm.s32 $0x80;
	s10 =	simm.s32 $0x400  }
0x17: {  	s20 =	simm.s32 $0x10400;
	s18 =	simm.s32 $0x14400;
	s5 =	simm.s32 $0x4  }
0x18: {  	s0 =	sadd.s32 $0xFFFFFFFF, s25;
	s25 =	simm.s32 $0x180;
	s23 =	simm.s32 $0x2  }
0x19: {  	s22 =	simm.s32 $0x3;
	s16 =	simm.s32 $0x5;
	s1 =	rddreg [dreg:$0x6]  }
0x1a: {  	[tilespmem:s2], [sflag:$0x7] =	stream.linear.gather [hbm4b:s1+s2], $0x200, $0x38;
	[tilespmem:$0x18400] =	vst v63  }
0x1b: {  	_ =	swait.ge [sflag:s28], $0x200  }
0x1c: {  	[sflag:s28] =	ssyncset.done $0x0  }
0x1d: {  	s24 =	rddreg [dreg:$0x7];
	[sflag:s28] =	ssyncadd.s32 $0xFFFFFE00  }
0x1e: {  	[tilespmem:s26], [sflag:$0x7] =	stream.linear.gather [hbm4b:s24+s2], $0x200, $0x38;
	[tilespmem:$0x18400] =	vst v63  }
0x1f: {  	_ =	swait.ge [sflag:s28], $0x200  }
0x20: {  	[sflag:s28] =	ssyncset.done $0x0  }
0x21: {  	[sflag:s28] =	ssyncadd.s32 $0xFFFFFE00  }
0x22: {  	[tilespmem:s10], [sflag:$0x1] =	stream.indirect.gather [hbm4b:s3+s21], $0x80, s2, s21, $0xb8;
	[tilespmem:$0x18400] =	vst v63  }
0x23: {  	_ = 	snop  }
0x24: {  	[tilespmem:s11], [sflag:$0x1] =	stream.indirect.gather [hbm4b:s4+s21], $0x80, s26, s21, $0xb8;
	[tilespmem:$0x18400] =	vst v63  }
0x25: {  	_ = 	snop  }
0x26: {  	[tilespmem:s19], [sflag:$0x2] =	stream.indirect.gather [hbm4b:s3+s21], $0x80, s21, s21, $0xb8;
	[tilespmem:$0x18400] =	vst v63  }
0x27: {  	s1 =	simm.s32 $0x280  }
0x28: {  	[tilespmem:s20], [sflag:$0x2] =	stream.indirect.gather [hbm4b:s4+s21], $0x80, s1, s21, $0xb8;
	[tilespmem:$0x18400] =	vst v63  }
0x29: {  	_ = 	snop  }
0x2a: {  	[tilespmem:s17], [sflag:$0x3] =	stream.indirect.gather [hbm4b:s3+s21], $0x80, s31, s21, $0xb8;
	[tilespmem:$0x18400] =	vst v63  }
0x2b: {  	_ = 	snop  }
0x2c: {  	[tilespmem:s18], [sflag:$0x3] =	stream.indirect.gather [hbm4b:s4+s21], $0x80, s30, s21, $0xb8;
	[tilespmem:$0x18400] =	vst v63  }
0x2d: {  	_ =	swait.ge [sflag:s15], $0x4000  }
0x2e: {  	[sflag:s15] =	ssyncset.done $0x0  }
0x2f: {  	[sflag:s15] =	ssyncadd.s32 $0xFFFFC000  }
0x30: {  	_ =	swait.ge [sflag:s15], $0x4000  }
0x31: {  	[sflag:s15] =	ssyncset.done $0x0  }
0x32: {  	s1 =	rddreg [dreg:$0x8];
	[sflag:s15] =	ssyncadd.s32 $0xFFFFC000  }
0x33: {  	[hbm4b:s1+s2] =	stream.linear.scatter [tilespmem:s10], [sflag:$0x4], $0x4000, $0x38;
	[tilespmem:$0x18400] =	vst v63  }
0x34: {  	s24 =	smov.u32 s0;
	s0 =	rddreg [dreg:$0x9]  }
0x35: {  	[hbm4b:s0+s2] =	stream.linear.scatter [tilespmem:s11], [sflag:$0x4], $0x4000, $0x38;
	[tilespmem:$0x18400] =	vst v63  }
0x36: {  	_ =	swait.ge [sflag:s5], $0x4000  }
0x37: {  	[sflag:s5] =	ssyncset.done $0x0  }
0x38: {  	[sflag:s5] =	ssyncadd.s32 $0xFFFFC000  }
0x39: {  	_ =	swait.ge [sflag:s5], $0x4000  }
0x3a: {  	[sflag:s5] =	ssyncset.done $0x0  }
0x3b: {  	[sflag:s5] =	ssyncadd.s32 $0xFFFFC000  }
0x3c: {  	[tilespmem:s10], [sflag:$0x1] =	stream.indirect.gather [hbm4b:s3+s21], $0x80, s25, s21, $0xb8;
	[tilespmem:$0x18400] =	vst v63  }
0x3d: {  	_ = 	snop  }
0x3e: {  	[tilespmem:s11], [sflag:$0x1] =	stream.indirect.gather [hbm4b:s4+s21], $0x80, s29, s21, $0xb8;
	[tilespmem:$0x18400] =	vst v63  }
0x3f: {  	_ =	swait.ge [sflag:s23], $0x4000  }
0x40: {  	[sflag:s23] =	ssyncset.done $0x0  }
0x41: {  	[sflag:s23] =	ssyncadd.s32 $0xFFFFC000  }
0x42: {  	_ =	swait.ge [sflag:s23], $0x4000  }
0x43: {  	[sflag:s23] =	ssyncset.done $0x0  }
0x44: {  	[sflag:s23] =	ssyncadd.s32 $0xFFFFC000  }
0x45: {  	[hbm4b:s12+s2] =	stream.linear.scatter [tilespmem:s19], [sflag:$0x5], $0x4000, $0x38;
	[tilespmem:$0x18400] =	vst v63  }
0x46: {  	_ = 	snop  }
0x47: {  	[hbm4b:s13+s2] =	stream.linear.scatter [tilespmem:s20], [sflag:$0x5], $0x4000, $0x38;
	[tilespmem:$0x18400] =	vst v63  }
0x48: {  	_ =	swait.ge [sflag:s22], $0x4000  }
0x49: {  	[sflag:s22] =	ssyncset.done $0x0  }
0x4a: {  	[sflag:s22] =	ssyncadd.s32 $0xFFFFC000  }
0x4b: {  	_ =	swait.ge [sflag:s22], $0x4000  }
0x4c: {  	[sflag:s22] =	ssyncset.done $0x0  }
0x4d: {  	[sflag:s22] =	ssyncadd.s32 $0xFFFFC000  }
0x4e: {  	[hbm4b:s8+s2] =	stream.linear.scatter [tilespmem:s17], [sflag:$0x6], $0x4000, $0x38;
	[tilespmem:$0x18400] =	vst v63  }
0x4f: {  	_ = 	snop  }
0x50: {  	[hbm4b:s9+s2] =	stream.linear.scatter [tilespmem:s18], [sflag:$0x6], $0x4000, $0x38;
	[tilespmem:$0x18400] =	vst v63  }
0x51: {  	_ =	swait.ge [sflag:s15], $0x4000  }
0x52: {  	[sflag:s15] =	ssyncset.done $0x0  }
0x53: {  	[sflag:s15] =	ssyncadd.s32 $0xFFFFC000  }
0x54: {  	_ =	swait.ge [sflag:s15], $0x4000  }
0x55: {  	[sflag:s15] =	ssyncset.done $0x0  }
0x56: {  	[sflag:s15] =	ssyncadd.s32 $0xFFFFC000  }
0x57: {  	[hbm4b:s6+s2] =	stream.linear.scatter [tilespmem:s10], [sflag:$0x4], $0x4000, $0x38;
	[tilespmem:$0x18400] =	vst v63  }
0x58: {  	_ = 	snop  }
0x59: {  	[hbm4b:s7+s2] =	stream.linear.scatter [tilespmem:s11], [sflag:$0x4], $0x4000, $0x38;
	[tilespmem:$0x18400] =	vst v63  }
0x5a: {  	_ =	swait.ge [sflag:s16], $0x4000  }
0x5b: {  	[sflag:s16] =	ssyncset.done $0x0  }
0x5c: {  	[sflag:s16] =	ssyncadd.s32 $0xFFFFC000  }
0x5d: {  	_ =	swait.ge [sflag:s16], $0x4000  }
0x5e: {  	[sflag:s16] =	ssyncset.done $0x0  }
0x5f: {  	[sflag:s16] =	ssyncadd.s32 $0xFFFFC000  }
0x60: {  	_ =	swait.ge [sflag:s14], $0x4000  }
0x61: {  	[sflag:s14] =	ssyncset.done $0x0  }
0x62: {  	[sflag:s14] =	ssyncadd.s32 $0xFFFFC000  }
0x63: {  	_ =	swait.ge [sflag:s14], $0x4000  }
0x64: {  	[sflag:s14] =	ssyncset.done $0x0  }
0x65: {  	p1 =	sne.s32 s24, $0x1;
	[sflag:s14] =	ssyncadd.s32 $0xFFFFC000  }
.Ltmp1:
0x66: {  	_ =	swait.ge [sflag:s5], $0x4000;
	(pc) =	sbr.rel @!p1 .LBB2_3-.Ltmp1, $4  }
0x67: {  	[sflag:s5] =	ssyncset.done $0x0  }
0x68: {  	[sflag:s5] =	ssyncadd.s32 $0xFFFFC000  }
0x69: {  	p0 =	por $0x1, $0x1;
	_ =	swait.ge [sflag:s5], $0x4000  }
0x6a: {  	s0 =	sadd.s32 $0xFFFFFFFF, s24;
	s1 =	rddreg [dreg:$0x6];
	[sflag:s5] =	ssyncset.done $0x0  }
.LBB2_4:
0x6b: {  	[sflag:s5] =	ssyncadd.s32 $0xFFFFC000  }
0x6c: {  	[tilespmem:s2], [sflag:$0x7] =	stream.linear.gather [hbm4b:s1+s2], $0x200, $0x38;
	[tilespmem:$0x18400] =	vst v63  }
0x6d: {  	_ =	swait.ge [sflag:s28], $0x200  }
0x6e: {  	[sflag:s28] =	ssyncset.done $0x0  }
0x6f: {  	s24 =	rddreg [dreg:$0x7];
	[sflag:s28] =	ssyncadd.s32 $0xFFFFFE00  }
0x70: {  	[tilespmem:s26], [sflag:$0x7] =	stream.linear.gather [hbm4b:s24+s2], $0x200, $0x38;
	[tilespmem:$0x18400] =	vst v63  }
0x71: {  	_ =	swait.ge [sflag:s28], $0x200  }
0x72: {  	[sflag:s28] =	ssyncset.done $0x0  }
0x73: {  	[sflag:s28] =	ssyncadd.s32 $0xFFFFFE00  }
0x74: {  	[tilespmem:s10], [sflag:$0x1] =	stream.indirect.gather [hbm4b:s3+s21], $0x80, s2, s21, $0xb8;
	[tilespmem:$0x18400] =	vst v63  }
0x75: {  	_ = 	snop  }
0x76: {  	[tilespmem:s11], [sflag:$0x1] =	stream.indirect.gather [hbm4b:s4+s21], $0x80, s26, s21, $0xb8;
	[tilespmem:$0x18400] =	vst v63  }
0x77: {  	_ = 	snop  }
0x78: {  	[tilespmem:s19], [sflag:$0x2] =	stream.indirect.gather [hbm4b:s3+s21], $0x80, s21, s21, $0xb8;
	[tilespmem:$0x18400] =	vst v63  }
0x79: {  	s24 =	simm.s32 $0x280  }
0x7a: {  	[tilespmem:s20], [sflag:$0x2] =	stream.indirect.gather [hbm4b:s4+s21], $0x80, s24, s21, $0xb8;
	[tilespmem:$0x18400] =	vst v63  }
0x7b: {  	_ = 	snop  }
0x7c: {  	[tilespmem:s17], [sflag:$0x3] =	stream.indirect.gather [hbm4b:s3+s21], $0x80, s31, s21, $0xb8;
	[tilespmem:$0x18400] =	vst v63  }
0x7d: {  	_ = 	snop  }
0x7e: {  	[tilespmem:s18], [sflag:$0x3] =	stream.indirect.gather [hbm4b:s4+s21], $0x80, s30, s21, $0xb8;
	[tilespmem:$0x18400] =	vst v63  }
0x7f: {  	_ =	swait.ge [sflag:s15], $0x4000  }
0x80: {  	[sflag:s15] =	ssyncset.done $0x0  }
0x81: {  	[sflag:s15] =	ssyncadd.s32 $0xFFFFC000  }
0x82: {  	_ =	swait.ge [sflag:s15], $0x4000  }
0x83: {  	[sflag:s15] =	ssyncset.done $0x0  }
0x84: {  	s1 =	rddreg [dreg:$0x8];
	[sflag:s15] =	ssyncadd.s32 $0xFFFFC000  }
0x85: {  	[hbm4b:s1+s2] =	stream.linear.scatter [tilespmem:s10], [sflag:$0x4], $0x4000, $0x38;
	[tilespmem:$0x18400] =	vst v63  }
0x86: {  	s24 =	rddreg [dreg:$0x9]  }
0x87: {  	[hbm4b:s24+s2] =	stream.linear.scatter [tilespmem:s11], [sflag:$0x4], $0x4000, $0x38;
	[tilespmem:$0x18400] =	vst v63  }
0x88: {  	_ =	swait.ge [sflag:s5], $0x4000  }
0x89: {  	[sflag:s5] =	ssyncset.done $0x0  }
0x8a: {  	[sflag:s5] =	ssyncadd.s32 $0xFFFFC000  }
0x8b: {  	_ =	swait.ge [sflag:s5], $0x4000  }
0x8c: {  	[sflag:s5] =	ssyncset.done $0x0  }
0x8d: {  	[sflag:s5] =	ssyncadd.s32 $0xFFFFC000  }
0x8e: {  	[tilespmem:s10], [sflag:$0x1] =	stream.indirect.gather [hbm4b:s3+s21], $0x80, s25, s21, $0xb8;
	[tilespmem:$0x18400] =	vst v63  }
0x8f: {  	_ = 	snop  }
0x90: {  	[tilespmem:s11], [sflag:$0x1] =	stream.indirect.gather [hbm4b:s4+s21], $0x80, s29, s21, $0xb8;
	[tilespmem:$0x18400] =	vst v63  }
0x91: {  	_ =	swait.ge [sflag:s23], $0x4000  }
0x92: {  	[sflag:s23] =	ssyncset.done $0x0  }
0x93: {  	[sflag:s23] =	ssyncadd.s32 $0xFFFFC000  }
0x94: {  	_ =	swait.ge [sflag:s23], $0x4000  }
0x95: {  	[sflag:s23] =	ssyncset.done $0x0  }
0x96: {  	[sflag:s23] =	ssyncadd.s32 $0xFFFFC000  }
0x97: {  	[hbm4b:s12+s2] =	stream.linear.scatter [tilespmem:s19], [sflag:$0x5], $0x4000, $0x38;
	[tilespmem:$0x18400] =	vst v63  }
0x98: {  	_ = 	snop  }
0x99: {  	[hbm4b:s13+s2] =	stream.linear.scatter [tilespmem:s20], [sflag:$0x5], $0x4000, $0x38;
	[tilespmem:$0x18400] =	vst v63  }
0x9a: {  	_ =	swait.ge [sflag:s22], $0x4000  }
0x9b: {  	[sflag:s22] =	ssyncset.done $0x0  }
0x9c: {  	[sflag:s22] =	ssyncadd.s32 $0xFFFFC000  }
0x9d: {  	_ =	swait.ge [sflag:s22], $0x4000  }
0x9e: {  	[sflag:s22] =	ssyncset.done $0x0  }
0x9f: {  	[sflag:s22] =	ssyncadd.s32 $0xFFFFC000  }
0xa0: {  	[hbm4b:s8+s2] =	stream.linear.scatter [tilespmem:s17], [sflag:$0x6], $0x4000, $0x38;
	[tilespmem:$0x18400] =	vst v63  }
0xa1: {  	_ = 	snop  }
0xa2: {  	[hbm4b:s9+s2] =	stream.linear.scatter [tilespmem:s18], [sflag:$0x6], $0x4000, $0x38;
	[tilespmem:$0x18400] =	vst v63  }
0xa3: {  	_ =	swait.ge [sflag:s15], $0x4000  }
0xa4: {  	[sflag:s15] =	ssyncset.done $0x0  }
0xa5: {  	[sflag:s15] =	ssyncadd.s32 $0xFFFFC000  }
0xa6: {  	_ =	swait.ge [sflag:s15], $0x4000  }
0xa7: {  	[sflag:s15] =	ssyncset.done $0x0  }
0xa8: {  	[sflag:s15] =	ssyncadd.s32 $0xFFFFC000  }
0xa9: {  	[hbm4b:s6+s2] =	stream.linear.scatter [tilespmem:s10], [sflag:$0x4], $0x4000, $0x38;
	[tilespmem:$0x18400] =	vst v63  }
0xaa: {  	_ = 	snop  }
0xab: {  	[hbm4b:s7+s2] =	stream.linear.scatter [tilespmem:s11], [sflag:$0x4], $0x4000, $0x38;
	[tilespmem:$0x18400] =	vst v63  }
0xac: {  	_ =	swait.ge [sflag:s16], $0x4000  }
0xad: {  	[sflag:s16] =	ssyncset.done $0x0  }
0xae: {  	[sflag:s16] =	ssyncadd.s32 $0xFFFFC000  }
0xaf: {  	_ =	swait.ge [sflag:s16], $0x4000  }
0xb0: {  	[sflag:s16] =	ssyncset.done $0x0  }
0xb1: {  	[sflag:s16] =	ssyncadd.s32 $0xFFFFC000  }
0xb2: {  	_ =	swait.ge [sflag:s14], $0x4000  }
0xb3: {  	[sflag:s14] =	ssyncset.done $0x0  }
0xb4: {  	[sflag:s14] =	ssyncadd.s32 $0xFFFFC000  }
0xb5: {  	_ =	swait.ge [sflag:s14], $0x4000  }
0xb6: {  	[sflag:s14] =	ssyncset.done $0x0  }
0xb7: {  	p1 =	sne.s32 s0, $0x1;
	[sflag:s14] =	ssyncadd.s32 $0xFFFFC000  }
.Ltmp2:
0xb8: {  	_ =	swait.ge [sflag:s5], $0x4000;
	(pc) =	sbr.rel @p1 .LBB2_4-.Ltmp2, $4  }
0xb9: {  	[sflag:s5] =	ssyncset.done $0x0  }
0xba: {  	[sflag:s5] =	ssyncadd.s32 $0xFFFFC000  }
0xbb: {  	_ =	swait.ge [sflag:s5], $0x4000  }
0xbc: {  	s0 =	sadd.s32 $0xFFFFFFFF, s0;
	s1 =	rddreg [dreg:$0x6];
	[sflag:s5] =	ssyncset.done $0x0  }
0xbd: {  	s29 =	simm.s32 $0x300;
	s31 =	simm.s32 $0x100  }
0xbe: {  	s30 =	simm.s32 $0x280;
	s25 =	simm.s32 $0x180;
	s24 =	rddreg [dreg:$0x5]  }
.LBB2_6:
0xbf: {  	[sflag:s5] =	ssyncadd.s32 @p0 $0xFFFFC000  }
0xc0: {  	[tilespmem:s2], [sflag:$0x7] =	stream.linear.gather [hbm4b:s1+s2], $0x200, $0x38;
	[tilespmem:$0x18400] =	vst v63  }
0xc1: {  	_ =	swait.ge [sflag:s28], $0x200  }
0xc2: {  	[sflag:s28] =	ssyncset.done $0x0  }
0xc3: {  	s0 =	rddreg [dreg:$0x7];
	[sflag:s28] =	ssyncadd.s32 $0xFFFFFE00  }
0xc4: {  	[tilespmem:s26], [sflag:$0x7] =	stream.linear.gather [hbm4b:s0+s2], $0x200, $0x38;
	[tilespmem:$0x18400] =	vst v63  }
0xc5: {  	_ =	swait.ge [sflag:s28], $0x200  }
0xc6: {  	[sflag:s28] =	ssyncset.done $0x0  }
0xc7: {  	[sflag:s28] =	ssyncadd.s32 $0xFFFFFE00  }
0xc8: {  	[tilespmem:s10], [sflag:$0x1] =	stream.indirect.gather [hbm4b:s3+s21], $0x80, s2, s21, $0xb8;
	[tilespmem:$0x18400] =	vst v63  }
0xc9: {  	_ = 	snop  }
0xca: {  	[tilespmem:s11], [sflag:$0x1] =	stream.indirect.gather [hbm4b:s4+s21], $0x80, s26, s21, $0xb8;
	[tilespmem:$0x18400] =	vst v63  }
0xcb: {  	_ = 	snop  }
0xcc: {  	[tilespmem:s19], [sflag:$0x2] =	stream.indirect.gather [hbm4b:s3+s21], $0x80, s21, s21, $0xb8;
	[tilespmem:$0x18400] =	vst v63  }
0xcd: {  	_ = 	snop  }
0xce: {  	[tilespmem:s20], [sflag:$0x2] =	stream.indirect.gather [hbm4b:s4+s21], $0x80, s30, s21, $0xb8;
	[tilespmem:$0x18400] =	vst v63  }
0xcf: {  	_ = 	snop  }
0xd0: {  	[tilespmem:s17], [sflag:$0x3] =	stream.indirect.gather [hbm4b:s3+s21], $0x80, s31, s21, $0xb8;
	[tilespmem:$0x18400] =	vst v63  }
0xd1: {  	_ = 	snop  }
0xd2: {  	[tilespmem:s18], [sflag:$0x3] =	stream.indirect.gather [hbm4b:s4+s21], $0x80, s29, s21, $0xb8;
	[tilespmem:$0x18400] =	vst v63  }
0xd3: {  	_ =	swait.ge [sflag:s15], $0x4000  }
0xd4: {  	[sflag:s15] =	ssyncset.done $0x0  }
0xd5: {  	[sflag:s15] =	ssyncadd.s32 $0xFFFFC000  }
0xd6: {  	_ =	swait.ge [sflag:s15], $0x4000  }
0xd7: {  	[sflag:s15] =	ssyncset.done $0x0  }
0xd8: {  	s28 =	rddreg [dreg:$0x8];
	[sflag:s15] =	ssyncadd.s32 $0xFFFFC000  }
0xd9: {  	[hbm4b:s28+s2] =	stream.linear.scatter [tilespmem:s10], [sflag:$0x4], $0x4000, $0x38;
	[tilespmem:$0x18400] =	vst v63  }
0xda: {  	s29 =	rddreg [dreg:$0x9]  }
0xdb: {  	[hbm4b:s29+s2] =	stream.linear.scatter [tilespmem:s11], [sflag:$0x4], $0x4000, $0x38;
	[tilespmem:$0x18400] =	vst v63  }
0xdc: {  	_ =	swait.ge [sflag:s5], $0x4000  }
0xdd: {  	[sflag:s5] =	ssyncset.done $0x0  }
0xde: {  	[sflag:s5] =	ssyncadd.s32 $0xFFFFC000  }
0xdf: {  	_ =	swait.ge [sflag:s5], $0x4000  }
0xe0: {  	[sflag:s5] =	ssyncset.done $0x0  }
0xe1: {  	[sflag:s5] =	ssyncadd.s32 $0xFFFFC000  }
0xe2: {  	[tilespmem:s10], [sflag:$0x1] =	stream.indirect.gather [hbm4b:s3+s21], $0x80, s25, s21, $0xb8;
	[tilespmem:$0x18400] =	vst v63  }
0xe3: {  	s30 =	simm.s32 $0x380  }
0xe4: {  	[tilespmem:s11], [sflag:$0x1] =	stream.indirect.gather [hbm4b:s4+s21], $0x80, s30, s21, $0xb8;
	[tilespmem:$0x18400] =	vst v63  }
0xe5: {  	_ =	swait.ge [sflag:s23], $0x4000  }
0xe6: {  	[sflag:s23] =	ssyncset.done $0x0  }
0xe7: {  	[sflag:s23] =	ssyncadd.s32 $0xFFFFC000  }
0xe8: {  	_ =	swait.ge [sflag:s23], $0x4000  }
0xe9: {  	[sflag:s23] =	ssyncset.done $0x0  }
0xea: {  	[sflag:s23] =	ssyncadd.s32 $0xFFFFC000  }
0xeb: {  	[hbm4b:s12+s2] =	stream.linear.scatter [tilespmem:s19], [sflag:$0x5], $0x4000, $0x38;
	[tilespmem:$0x18400] =	vst v63  }
0xec: {  	_ = 	snop  }
0xed: {  	[hbm4b:s13+s2] =	stream.linear.scatter [tilespmem:s20], [sflag:$0x5], $0x4000, $0x38;
	[tilespmem:$0x18400] =	vst v63  }
0xee: {  	_ =	swait.ge [sflag:s22], $0x4000  }
0xef: {  	[sflag:s22] =	ssyncset.done $0x0  }
0xf0: {  	[sflag:s22] =	ssyncadd.s32 $0xFFFFC000  }
0xf1: {  	_ =	swait.ge [sflag:s22], $0x4000  }
0xf2: {  	[sflag:s22] =	ssyncset.done $0x0  }
0xf3: {  	[sflag:s22] =	ssyncadd.s32 $0xFFFFC000  }
0xf4: {  	[hbm4b:s8+s2] =	stream.linear.scatter [tilespmem:s17], [sflag:$0x6], $0x4000, $0x38;
	[tilespmem:$0x18400] =	vst v63  }
0xf5: {  	_ = 	snop  }
0xf6: {  	[hbm4b:s9+s2] =	stream.linear.scatter [tilespmem:s18], [sflag:$0x6], $0x4000, $0x38;
	[tilespmem:$0x18400] =	vst v63  }
0xf7: {  	_ =	swait.ge [sflag:s15], $0x4000  }
0xf8: {  	[sflag:s15] =	ssyncset.done $0x0  }
0xf9: {  	[sflag:s15] =	ssyncadd.s32 $0xFFFFC000  }
0xfa: {  	_ =	swait.ge [sflag:s15], $0x4000  }
0xfb: {  	[sflag:s15] =	ssyncset.done $0x0  }
0xfc: {  	[sflag:s15] =	ssyncadd.s32 $0xFFFFC000  }
0xfd: {  	[hbm4b:s6+s2] =	stream.linear.scatter [tilespmem:s10], [sflag:$0x4], $0x4000, $0x38;
	[tilespmem:$0x18400] =	vst v63  }
0xfe: {  	_ = 	snop  }
0xff: {  	[hbm4b:s7+s2] =	stream.linear.scatter [tilespmem:s11], [sflag:$0x4], $0x4000, $0x38;
	[tilespmem:$0x18400] =	vst v63  }
0x100: {  	_ =	swait.ge [sflag:s16], $0x4000  }
0x101: {  	[sflag:s16] =	ssyncset.done $0x0  }
0x102: {  	[sflag:s16] =	ssyncadd.s32 $0xFFFFC000  }
0x103: {  	_ =	swait.ge [sflag:s16], $0x4000  }
0x104: {  	[sflag:s16] =	ssyncset.done $0x0  }
0x105: {  	[sflag:s16] =	ssyncadd.s32 $0xFFFFC000  }
0x106: {  	_ =	swait.ge [sflag:s14], $0x4000  }
0x107: {  	[sflag:s14] =	ssyncset.done $0x0  }
0x108: {  	[sflag:s14] =	ssyncadd.s32 $0xFFFFC000  }
0x109: {  	_ =	swait.ge [sflag:s14], $0x4000  }
0x10a: {  	[sflag:s14] =	ssyncset.done $0x0  }
0x10b: {  	[sflag:s14] =	ssyncadd.s32 $0xFFFFC000  }
0x10c: {  	_ =	swait.ge [sflag:s5], $0x4000  }
0x10d: {  	[sflag:s5] =	ssyncset.done $0x0  }
0x10e: {  	[sflag:s5] =	ssyncadd.s32 $0xFFFFC000  }
0x10f: {  	_ =	swait.ge [sflag:s5], $0x4000  }
0x110: {  	[sflag:s5] =	ssyncset.done $0x0  }
0x111: {  	[sflag:s5] =	ssyncadd.s32 $0xFFFFC000  }
0x112: {  	_ =	sfence.sel $0x180000  }
0x113: {  	s31 =	stileid.u32;
	[bflag:$0x0] =	sbarrier.arrive $0xFFFF  }
0x114: {  	p0 =	sne.s32 s31, $0x0;
	_ =	strace $0x9000004A  }
0x115: {  	s0 =	sadd.s32 @!p0 $0x100000, s24;
	[bflag:$0x2] =	sbarrier.arrive $0xFFFF  }
0x116: {  	[sflag:s0] =	ssyncadd.tile.s32 @!p0 $0x1;
	_ =	shalt  }
.LBB2_1:
.Ltmp3:
0x117: {  	(pc) =	sbr.rel .LBB2_6-.Ltmp3, $3  }
0x118: {  	_ =	sdelay $0x1  }
0x119: {  	s29 =	simm.s32 $0x300  }
0x11a: {  	s31 =	simm.s32 $0x100;
	s30 =	simm.s32 $0x280;
	s25 =	simm.s32 $0x180  }
.LBB2_3:
.Ltmp4:
0x11b: {  	(pc) =	sbr.rel .LBB2_6-.Ltmp4, $3  }
0x11c: {  	_ =	sdelay $0x1  }
0x11d: {  	s29 =	simm.s32 $0x300;
	s31 =	simm.s32 $0x100  }
0x11e: {  	s30 =	simm.s32 $0x280;
	s25 =	simm.s32 $0x180;
	s24 =	rddreg [dreg:$0x5]  }
.Lfunc_end2:
_tile_overlayer_lowered:
.L_overlay_start_2:
0x11f: {  	(tag) =	ssettag $0x2  }
0x120: {  	s0 =	rddreg [dreg:$0x0];
	s2 =	stileid.u32  }
0x121: {  	s1 =	rddreg [dreg:$0x1];
	p0 =	sne.s32 s2, $0x0  }
0x122: {  	s3 =	rddreg [dreg:$0x2];
	[bflag:$0x3] =	sbarrier.arrive $0xFFFF;
	s2 =	simm.s32 @!p0 $0x1C07  }
0x123: {  	[timem:s3], [sflag:s2] =	dma.local @!p0 [hbm:s0], s1  }
0x124: {  	s0 =	simm.s32 @!p0 $0x7  }
0x125: {  	_ =	swait.ge @!p0 [sflag:s0], s1  }
0x126: {  	s1 =	ssub.s32 @!p0 $0x0, s1;
	[sflag:s0] =	ssyncset.done @!p0 $0x0  }
0x127: {  	[sflag:s0] =	ssyncadd.s32 @!p0 s1  }
0x128: {  	[bflag:$0x3] =	sbarrier.arrive $0xFFFF  }
0x129: {  	_ =	shalt  }

// kernel: kernel.8.cloned.1.call-start
scs
__scs_entry_jumppad:
0x0: {  	(pc) =	sbr.rel $0x88, $3  }
0x1: {  	(tag) =	ssettag $0x0;
	lr =	simm.s32 $0x1  }
0x2: {  	[smem:$0x3F8D] =	sst lr;
	_ =	strace $0xD0000000  }
0x3: {  	_ = 	snop  }
0x4: {  	_ = 	snop  }
0x5: {  	_ = 	snop  }
0x6: {  	_ = 	snop  }
0x7: {  	_ = 	snop  }
__scs_overlays_trampoline_lowered:
0x8: {  	[smem:$0x3F9C] =	sst s0  }
0x9: {  	[smem:$0x3F9D] =	sst s1  }
0xa: {  	[smem:$0x3F9E] =	sst s2  }
0xb: {  	[smem:$0x3F9F] =	sst s3  }
0xc: {  	[smem:$0x3FA0] =	sst s4  }
0xd: {  	[smem:$0x3FA1] =	sst s5  }
0xe: {  	[smem:$0x3FA2] =	sst s6  }
0xf: {  	[smem:$0x3FA3] =	sst s7  }
0x10: {  	[smem:$0x3FA4] =	sst s8  }
0x11: {  	[smem:$0x3FA5] =	sst s9;
	s0 =	simm.s32 @!p0 $0x0  }
0x12: {  	s1 =	sld [smem:$0x3F8B];
	s0 =	simm.s32 @p0 $0x1  }
0x13: {  	[smem:$0x3FA6] =	sst s0;
	s0 =	simm.s32 @!p1 $0x0  }
0x14: {  	s2 =	sld [smem:$0x3F8A];
	s0 =	simm.s32 @p1 $0x1  }
0x15: {  	[smem:$0x3FA7] =	sst s0;
	s0 =	simm.s32 @!p2 $0x0  }
0x16: {  	s3 =	sld [smem:$0x3FDB];
	s0 =	simm.s32 @p2 $0x1  }
0x17: {  	s4 =	simm.s32 $0x1BF5;
	[smem:$0x3FA9] =	sst s0  }
0x18: {  	s0 =	sld [smem:$0x3F8C];
	_ =	swait.ge [sflag:s4], $0x0  }
0x19: {  	s7 =	sld [smem:$0x3F8D]  }
0x1a: {  	s8 =	sadd.s32 $0xFFFFE003, lr  }
0x1b: {  	s9 =	sadd.s32 $0xFFFFFEF7, lr;
	s5 =	simm.s32 $0xFFFFFFFF;
	p2 =	slt.u32 s8, $0xFFFFF086  }
0x1c: {  	p1 =	slt.u32 s9, $0xF7A;
	s5 =	simm.s32 @!p2 $0x0  }
0x1d: {  	s5 =	simm.s32 @p1 $0x1;
	p0 =	seq.s32 s7, s2  }
0x1e: {  	s7 =	smul.u32 @!p0 $0xF7A, s2;
	p2 =	seq.s32 @!p0 s5, $0x0  }
0x1f: {  	s9 =	smul.u32 $0xF7A, s1;
	s8 =	simm.s32 @!p0 $0x1BF5;
	p2 =	por !p2, p0  }
0x20: {  	[sflag:s8] =	ssyncset.s32 @!p0 $0xFFFFF086;
	s6 =	sadd.s32 @!p0 s3, s7;
	s7 =	simm.s32 @!p0 $0x108  }
0x21: {  	s3 =	sadd.s32 s3, s9;
	s6 =	sadd.s32 @!p0 $0x88, s6;
	s7 =	simm.s32 @p2 $0x1082  }
0x22: {  	[simem:s7], [sflag:s8] =	dma.local @!p0 [hbm:s6], $0xF7A  }
0x23: {  	s9 =	sor.u32 $0xD0000000, s2;
	s6 =	simm.s32 $0x108;
	_ =	swait.ge @!p0 [sflag:s8], $0x0  }
0x24: {  	s3 =	sadd.s32 $0x88, s3;
	s6 =	simm.s32 @!p1 $0x1082;
	[sflag:s4] =	ssyncset.s32 $0xFFFFF086  }
0x25: {  	[simem:s6], [sflag:s4] =	dma.local [hbm:s3], $0xF7A  }
0x26: {  	[smem:$0x3F8D] =	sst s1;
	(tag) =	ssettag s2;
	_ =	strace s9  }
0x27: {  	s1 =	sld [smem:$0x3F9D]  }
0x28: {  	s2 =	sld [smem:$0x3F9E]  }
0x29: {  	s4 =	sld [smem:$0x3FA0]  }
0x2a: {  	p0 =	seq.s32 s5, $0x0;
	s5 =	sld [smem:$0x3FA1]  }
0x2b: {  	s6 =	sld [smem:$0x3FA2]  }
0x2c: {  	s7 =	sld [smem:$0x3FA3]  }
0x2d: {  	s3 =	simm.s32 $0x108;
	s8 =	sld [smem:$0x3FA4]  }
0x2e: {  	s3 =	simm.s32 @!p0 $0x1082;
	s9 =	sld [smem:$0x3FA5]  }
0x2f: {  	lr =	sadd.s32 s0, s3;
	s0 =	sld [smem:$0x3F9C]  }
0x30: {  	s3 =	sld [smem:$0x3F9F]  }
0x31: {  	[smem:$0x3FA8] =	sst s10  }
0x32: {  	s10 =	sld [smem:$0x3FA6];
	_ =	sdelay $0x3  }
0x33: {  	p0 =	seq.s32 s10, $0x1;
	s10 =	sld [smem:$0x3FA8];
	_ =	sdelay $0x3  }
0x34: {  	[smem:$0x3FA8] =	sst s10  }
0x35: {  	s10 =	sld [smem:$0x3FA7];
	_ =	sdelay $0x3  }
0x36: {  	p1 =	seq.s32 s10, $0x1;
	s10 =	sld [smem:$0x3FA8];
	_ =	sdelay $0x3  }
0x37: {  	[smem:$0x3FA8] =	sst s10  }
0x38: {  	s10 =	sld [smem:$0x3FA9]  }
0x39: {  	_ = 	snop;
	(pc) =	sbr.ind lr, $3  }
0x3a: {  	_ = 	snop  }
0x3b: {  	_ = 	snop  }
0x3c: {  	p2 =	seq.s32 s10, $0x1;
	s10 =	sld [smem:$0x3FA8]  }
0x3d: {  	_ =	shalt  }
0x3e: {  	_ =	shalt  }
0x3f: {  	_ =	shalt  }
0x40: {  	_ =	shalt  }
0x41: {  	_ =	shalt  }
0x42: {  	_ =	shalt  }
0x43: {  	_ =	shalt  }
0x44: {  	_ =	shalt  }
0x45: {  	_ =	shalt  }
0x46: {  	_ =	shalt  }
0x47: {  	_ =	shalt  }
0x48: {  	_ =	shalt  }
0x49: {  	_ =	shalt  }
0x4a: {  	_ =	shalt  }
0x4b: {  	_ =	shalt  }
0x4c: {  	_ =	shalt  }
0x4d: {  	_ =	shalt  }
0x4e: {  	_ =	shalt  }
0x4f: {  	_ =	shalt  }
0x50: {  	_ =	shalt  }
0x51: {  	_ =	shalt  }
0x52: {  	_ =	shalt  }
0x53: {  	_ =	shalt  }
0x54: {  	_ =	shalt  }
0x55: {  	_ =	shalt  }
0x56: {  	_ =	shalt  }
0x57: {  	_ =	shalt  }
0x58: {  	_ =	shalt  }
0x59: {  	_ =	shalt  }
0x5a: {  	_ =	shalt  }
0x5b: {  	_ =	shalt  }
0x5c: {  	_ =	shalt  }
0x5d: {  	_ =	shalt  }
0x5e: {  	_ =	shalt  }
0x5f: {  	_ =	shalt  }
0x60: {  	_ =	shalt  }
0x61: {  	_ =	shalt  }
0x62: {  	_ =	shalt  }
0x63: {  	_ =	shalt  }
0x64: {  	_ =	shalt  }
0x65: {  	_ =	shalt  }
0x66: {  	_ =	shalt  }
0x67: {  	_ =	shalt  }
0x68: {  	_ =	shalt  }
0x69: {  	_ =	shalt  }
0x6a: {  	_ =	shalt  }
0x6b: {  	_ =	shalt  }
0x6c: {  	_ =	shalt  }
0x6d: {  	_ =	shalt  }
0x6e: {  	_ =	shalt  }
0x6f: {  	_ =	shalt  }
0x70: {  	_ =	shalt  }
0x71: {  	_ =	shalt  }
0x72: {  	_ =	shalt  }
0x73: {  	_ =	shalt  }
0x74: {  	_ =	shalt  }
0x75: {  	_ =	shalt  }
0x76: {  	_ =	shalt  }
0x77: {  	_ =	shalt  }
0x78: {  	_ =	shalt  }
0x79: {  	_ =	shalt  }
0x7a: {  	_ =	shalt  }
0x7b: {  	_ =	shalt  }
0x7c: {  	_ =	shalt  }
0x7d: {  	_ =	shalt  }
0x7e: {  	_ =	shalt  }
0x7f: {  	_ =	shalt  }
0x80: {  	_ =	shalt  }
0x81: {  	_ =	shalt  }
0x82: {  	_ =	shalt  }
0x83: {  	_ =	shalt  }
0x84: {  	_ =	shalt  }
0x85: {  	_ =	shalt  }
0x86: {  	_ =	shalt  }
0x87: {  	_ =	shalt  }
.Lfunc_end0:
.L_simem_size_0:
called_computation.1_lowered:
.L_overlay_start_0:
0x88: {  	s2 =	sld [smem:$0x3FD9]  }
0x89: {  	s3 =	sld [smem:$0x3FFE];
	_ =	sdelay $0x1  }
0x8a: {  	s1 =	srdreg.scid  }
0x8b: {  	s0 =	sand.u32 $0x1, s1  }
0x8c: {  	s17 =	sshll.u32 s0, $0xA;
	s2 =	sadd.s32 s3, s2  }
0x8d: {  	s2 =	sadd.s32 s2, s17  }
0x8e: {  	[smem:$0x3FB4] =	sst s2  }
0x8f: {  	_ = 	snop  }
0x90: {  	s2 =	sld [smem:$0x3FD0];
	(tm) =	ssettm $0x1  }
0x91: {  	s18 =	sld [smem:$0x3FFB];
	_ =	sdelay $0x3  }
0x92: {  	_ =	strace s18  }
0x93: {  	s3 =	sld [smem:$0x3FFC];
	_ =	sdelay $0x3  }
0x94: {  	_ =	strace s3  }
0x95: {  	s3 =	sld [smem:$0x3FFD];
	_ =	sdelay $0x3  }
0x96: {  	_ =	strace s3  }
0x97: {  	_ =	strace $0x8FFFFFFF  }
0x98: {  	s19 =	sld [smem:$0x3FDB];
	_ =	sdelay $0x1  }
0x99: {  	s4 =	simm.s32 $_scs_section_size  }
0x9a: {  	s5 =	simm.s32 $_size__tile_overlayer_lowered;
	s6 =	simm.s32 $_tile_overlayer_lowered  }
0x9b: {  	s22 =	simm.s32 $0x1BFF;
	s21 =	sshll.u32 s6, $0x1;
	s3 =	sadd.s32 s4, s19  }
0x9c: {  	s7 =	simm.s32 $0x0;
	s20 =	sshll.u32 s5, $0x1;
	s5 =	sadd.s32 s21, s3  }
0x9d: {  	[timem:s7], [sflag:s22] =	dma.local [hbm:s5], s20  }
0x9e: {  	_ =	swait.ge [sflag:s22], s20  }
0x9f: {  	s4 =	ssub.s32 $0x0, s20;
	[sflag:s22] =	ssyncset.done $0x0  }
0xa0: {  	[sflag:s22] =	ssyncadd.s32 s4;
	_ =	sdelay $0x1  }
0xa1: {  	s23 =	simm.s32 $0x1B8B  }
0xa2: {  	_ =	swait.ge [sflag:s23], $0x1  }
0xa3: {  	[sflag:s23] =	ssyncset.done $0x0  }
0xa4: {  	s25 =	simm.s32 $0x1B8E;
	s24 =	sld [smem:$0x3FFE];
	[sflag:s23] =	ssyncadd.s32 $0xFFFFFFFF  }
0xa5: {  	s26 =	simm.s32 $execute0_lowered;
	[smem:$0x3FD2] =	sst s25  }
0xa6: {  	s5 =	sshll.u32 s26, $0x1;
	_ =	strace $0x80000046;
	[dreg:$0x1] =	wrdreg $0xFFFFFFFF  }
0xa7: {  	s28 =	simm.s32 $_size_execute0_lowered;
	s3 =	sadd.s32 s3, s5;
	[dreg:$0x0] =	wrdreg $0x0  }
0xa8: {  	s5 =	sshll.u32 s28, $0x1;
	[dreg:$0x2] =	wrdreg s3  }
0xa9: {  	[dreg:$0x3] =	wrdreg s5  }
0xaa: {  	[dreg:$0x4] =	wrdreg $0xC0  }
0xab: {  	_ =	task [dreg:s7], $0x5FFFF  }
0xac: {  	[dreg:$0x1] =	wrdreg $0xFFFFFFFF  }
0xad: {  	[dreg:$0x0] =	wrdreg $0x60  }
0xae: {  	[dreg:$0x2] =	wrdreg s24  }
0xaf: {  	[dreg:$0x3] =	wrdreg s2  }
0xb0: {  	[dreg:$0x4] =	wrdreg $0xA  }
0xb1: {  	_ =	task.clear_ibuf [dreg:s7], $0x5FFFF;
	_ =	strace $0x90000046  }
0xb2: {  	s29 =	simm.s32 $0xA;
	_ =	strace $0x80000048  }
0xb3: {  	_ =	swait.ge [sflag:s29], $0x1  }
0xb4: {  	[sflag:s29] =	ssyncadd.s32 $0xFFFFFFFF  }
0xb5: {  	_ =	strace $0x90000048  }
0xb6: {  	_ =	sfence  }
0xb7: {  	s30 =	sld [smem:$0x0];
	_ =	sdelay $0x2  }
0xb8: {  	s31 =	sshll.u32 s1, $0xD;
	s1 =	sshrl.u32 s1, $0x2  }
0xb9: {  	s3 =	sand.u32 $0x4000, s31;
	s1 =	sadd.s32 s1, s30  }
0xba: {  	s0 =	sor.u32 s3, s0;
	s1 =	sshll.u32 s1, $0x11  }
0xbb: {  	s0 =	sor.u32 s1, s0  }
0xbc: {  	s0 =	sadd.s32 $0x8F2B, s0  }
0xbd: {  	[sflag:s0] =	ssyncadd.remote.s32 $0x1  }
0xbe: {  	_ =	sfence.sel $0xFFFF  }
0xbf: {  	[dreg:$0x0] =	wrdreg $0xFFFFFFFF;
	(pc) =	sbr.abs _section_cstart, $3  }
0xc0: {  	[dreg:$0x1] =	wrdreg $0xFFFFFFFF  }
0xc1: {  	_ =	task.clear_ibuf [dreg:s7], $0x2FFFF;
	_ =	strace $0x9FFFFFFF  }
0xc2: {  	(tm) =	ssettm $0x7FFFFFFF  }
0xc3: {  	_ =	shalt  }
tec
execute0_lowered:
.L_overlay_start_1:
0x0: {  	(tag) =	ssettag $0x1  }
0x1: {  	s0 =	rddreg [dreg:$0x0]  }
0x2: {  	s1 =	rddreg [dreg:$0x1]  }
0x3: {  	s2 =	srdreg.scid;
	s24 =	rddreg [dreg:$0x2]  }
0x4: {  	s4 =	stileid.u32;
	s28 =	simm.s32 $0x7;
	s26 =	simm.s32 $0x200  }
0x5: {  	s11 =	simm.s32 $0xC400;
	s31 =	simm.s32 $0x100;
	s17 =	simm.s32 $0x8400  }
0x6: {  	s30 =	simm.s32 $0x300;
	s15 =	simm.s32 $0x1;
	p0 =	por $0x0, $0x0  }
0x7: {  	s29 =	simm.s32 $0x380;
	s16 =	simm.s32 $0x5;
	s14 =	simm.s32 $0x6  }
0x8: {  	s3 =	sand.u32 $0x1, s2;
	s2 =	simm.s32 $0x0;
	s4 =	sshll.u32 s4, $0xA  }
0x9: {  	s6 =	sadd.s32 $0x18C000, s0;
	s7 =	sadd.s32 $0x24F600, s0;
	s10 =	sadd.s32 $0x5E00, s0  }
0xa: {  	s5 =	sshll.u32 s3, $0x9;
	[smem:$0x7FF] =	sst s2;
	s3 =	ssub.s32 $0x2, s3  }
0xb: {  	s4 =	sor.u32 s5, s4;
	_ =	strace $0x80000047;
	s19 =	sshrl.u32 s3, $0x1  }
0xc: {  	s5 =	sshrl.u32 s4, $0x3;
	s4 =	sshll.u32 s4, $0x4;
	s3 =	ssub.s32 s3, s19  }
0xd: {  	s19 =	simm.s32 $0x4400;
	s8 =	sadd.s32 s5, s0;
	s0 =	sadd.s32 $0x45E00, s0  }
0xe: {  	s1 =	sadd.s32 s1, s5;
	s18 =	sadd.s32 s10, s4;
	s21 =	sor.u32 $0x800, s4  }
0xf: {  	s22 =	sor.u32 $0x1000, s4;
	s23 =	sor.u32 $0x1800, s4;
	s25 =	smax.u32 s3, $0x1  }
0x10: {  	s3 =	simm.s32 $0x4;
	s8 =	sadd.s32 $0x5600, s8;
	[dreg:$0x4] =	wrdreg s1  }
0x11: {  	[dreg:$0x5] =	wrdreg s18;
	s20 =	sadd.s32 s0, s4;
	s12 =	sadd.s32 s10, s21  }
0x12: {  	s13 =	sadd.s32 s0, s21;
	s9 =	sadd.s32 s0, s22;
	p1 =	sne.s32 s25, $0x1  }
.Ltmp0:
0x13: {  	s4 =	sadd.s32 s10, s23;
	s5 =	sadd.s32 s0, s23;
	(pc) =	sbr.rel @!p1 .LBB2_1-.Ltmp0, $4  }
0x14: {  	s21 =	simm.s32 $0x80;
	s18 =	simm.s32 $0x14400;
	s0 =	sadd.s32 $0xFFFFFFFF, s25  }
0x15: {  	s25 =	simm.s32 $0x180;
	s23 =	simm.s32 $0x2;
	[dreg:$0x3] =	wrdreg s8  }
0x16: {  	[dreg:$0x6] =	wrdreg s20;
	s8 =	sadd.s32 s10, s22;
	s10 =	simm.s32 $0x400  }
0x17: {  	s20 =	simm.s32 $0x10400;
	s22 =	simm.s32 $0x3;
	s1 =	rddreg [dreg:$0x3]  }
0x18: {  	[tilespmem:s2], [sflag:$0x7] =	stream.linear.gather [hbm4b:s1+s2], $0x200, $0x38;
	[tilespmem:$0x18400] =	vst v63  }
0x19: {  	_ =	swait.ge [sflag:s28], $0x200  }
0x1a: {  	[sflag:s28] =	ssyncset.done $0x0  }
0x1b: {  	s24 =	rddreg [dreg:$0x4];
	[sflag:s28] =	ssyncadd.s32 $0xFFFFFE00  }
0x1c: {  	[tilespmem:s26], [sflag:$0x7] =	stream.linear.gather [hbm4b:s24+s2], $0x200, $0x38;
	[tilespmem:$0x18400] =	vst v63  }
0x1d: {  	_ =	swait.ge [sflag:s28], $0x200  }
0x1e: {  	[sflag:s28] =	ssyncset.done $0x0  }
0x1f: {  	[sflag:s28] =	ssyncadd.s32 $0xFFFFFE00  }
0x20: {  	[tilespmem:s10], [sflag:$0x1] =	stream.indirect.gather [hbm4b:s6+s21], $0x80, s2, s21, $0xb8;
	[tilespmem:$0x18400] =	vst v63  }
0x21: {  	_ = 	snop  }
0x22: {  	[tilespmem:s11], [sflag:$0x1] =	stream.indirect.gather [hbm4b:s7+s21], $0x80, s26, s21, $0xb8;
	[tilespmem:$0x18400] =	vst v63  }
0x23: {  	_ = 	snop  }
0x24: {  	[tilespmem:s19], [sflag:$0x2] =	stream.indirect.gather [hbm4b:s6+s21], $0x80, s21, s21, $0xb8;
	[tilespmem:$0x18400] =	vst v63  }
0x25: {  	s1 =	simm.s32 $0x280  }
0x26: {  	[tilespmem:s20], [sflag:$0x2] =	stream.indirect.gather [hbm4b:s7+s21], $0x80, s1, s21, $0xb8;
	[tilespmem:$0x18400] =	vst v63  }
0x27: {  	_ = 	snop  }
0x28: {  	[tilespmem:s17], [sflag:$0x3] =	stream.indirect.gather [hbm4b:s6+s21], $0x80, s31, s21, $0xb8;
	[tilespmem:$0x18400] =	vst v63  }
0x29: {  	_ = 	snop  }
0x2a: {  	[tilespmem:s18], [sflag:$0x3] =	stream.indirect.gather [hbm4b:s7+s21], $0x80, s30, s21, $0xb8;
	[tilespmem:$0x18400] =	vst v63  }
0x2b: {  	_ =	swait.ge [sflag:s15], $0x4000  }
0x2c: {  	[sflag:s15] =	ssyncset.done $0x0  }
0x2d: {  	[sflag:s15] =	ssyncadd.s32 $0xFFFFC000  }
0x2e: {  	_ =	swait.ge [sflag:s15], $0x4000  }
0x2f: {  	[sflag:s15] =	ssyncset.done $0x0  }
0x30: {  	s1 =	rddreg [dreg:$0x5];
	[sflag:s15] =	ssyncadd.s32 $0xFFFFC000  }
0x31: {  	[hbm4b:s1+s2] =	stream.linear.scatter [tilespmem:s10], [sflag:$0x4], $0x4000, $0x38;
	[tilespmem:$0x18400] =	vst v63  }
0x32: {  	s24 =	smov.u32 s0;
	s0 =	rddreg [dreg:$0x6]  }
0x33: {  	[hbm4b:s0+s2] =	stream.linear.scatter [tilespmem:s11], [sflag:$0x4], $0x4000, $0x38;
	[tilespmem:$0x18400] =	vst v63  }
0x34: {  	_ =	swait.ge [sflag:s3], $0x4000  }
0x35: {  	[sflag:s3] =	ssyncset.done $0x0  }
0x36: {  	[sflag:s3] =	ssyncadd.s32 $0xFFFFC000  }
0x37: {  	_ =	swait.ge [sflag:s3], $0x4000  }
0x38: {  	[sflag:s3] =	ssyncset.done $0x0  }
0x39: {  	[sflag:s3] =	ssyncadd.s32 $0xFFFFC000  }
0x3a: {  	[tilespmem:s10], [sflag:$0x1] =	stream.indirect.gather [hbm4b:s6+s21], $0x80, s25, s21, $0xb8;
	[tilespmem:$0x18400] =	vst v63  }
0x3b: {  	_ = 	snop  }
0x3c: {  	[tilespmem:s11], [sflag:$0x1] =	stream.indirect.gather [hbm4b:s7+s21], $0x80, s29, s21, $0xb8;
	[tilespmem:$0x18400] =	vst v63  }
0x3d: {  	_ =	swait.ge [sflag:s23], $0x4000  }
0x3e: {  	[sflag:s23] =	ssyncset.done $0x0  }
0x3f: {  	[sflag:s23] =	ssyncadd.s32 $0xFFFFC000  }
0x40: {  	_ =	swait.ge [sflag:s23], $0x4000  }
0x41: {  	[sflag:s23] =	ssyncset.done $0x0  }
0x42: {  	[sflag:s23] =	ssyncadd.s32 $0xFFFFC000  }
0x43: {  	[hbm4b:s12+s2] =	stream.linear.scatter [tilespmem:s19], [sflag:$0x5], $0x4000, $0x38;
	[tilespmem:$0x18400] =	vst v63  }
0x44: {  	_ = 	snop  }
0x45: {  	[hbm4b:s13+s2] =	stream.linear.scatter [tilespmem:s20], [sflag:$0x5], $0x4000, $0x38;
	[tilespmem:$0x18400] =	vst v63  }
0x46: {  	_ =	swait.ge [sflag:s22], $0x4000  }
0x47: {  	[sflag:s22] =	ssyncset.done $0x0  }
0x48: {  	[sflag:s22] =	ssyncadd.s32 $0xFFFFC000  }
0x49: {  	_ =	swait.ge [sflag:s22], $0x4000  }
0x4a: {  	[sflag:s22] =	ssyncset.done $0x0  }
0x4b: {  	[sflag:s22] =	ssyncadd.s32 $0xFFFFC000  }
0x4c: {  	[hbm4b:s8+s2] =	stream.linear.scatter [tilespmem:s17], [sflag:$0x6], $0x4000, $0x38;
	[tilespmem:$0x18400] =	vst v63  }
0x4d: {  	_ = 	snop  }
0x4e: {  	[hbm4b:s9+s2] =	stream.linear.scatter [tilespmem:s18], [sflag:$0x6], $0x4000, $0x38;
	[tilespmem:$0x18400] =	vst v63  }
0x4f: {  	_ =	swait.ge [sflag:s15], $0x4000  }
0x50: {  	[sflag:s15] =	ssyncset.done $0x0  }
0x51: {  	[sflag:s15] =	ssyncadd.s32 $0xFFFFC000  }
0x52: {  	_ =	swait.ge [sflag:s15], $0x4000  }
0x53: {  	[sflag:s15] =	ssyncset.done $0x0  }
0x54: {  	[sflag:s15] =	ssyncadd.s32 $0xFFFFC000  }
0x55: {  	[hbm4b:s4+s2] =	stream.linear.scatter [tilespmem:s10], [sflag:$0x4], $0x4000, $0x38;
	[tilespmem:$0x18400] =	vst v63  }
0x56: {  	_ = 	snop  }
0x57: {  	[hbm4b:s5+s2] =	stream.linear.scatter [tilespmem:s11], [sflag:$0x4], $0x4000, $0x38;
	[tilespmem:$0x18400] =	vst v63  }
0x58: {  	_ =	swait.ge [sflag:s16], $0x4000  }
0x59: {  	[sflag:s16] =	ssyncset.done $0x0  }
0x5a: {  	[sflag:s16] =	ssyncadd.s32 $0xFFFFC000  }
0x5b: {  	_ =	swait.ge [sflag:s16], $0x4000  }
0x5c: {  	[sflag:s16] =	ssyncset.done $0x0  }
0x5d: {  	[sflag:s16] =	ssyncadd.s32 $0xFFFFC000  }
0x5e: {  	_ =	swait.ge [sflag:s14], $0x4000  }
0x5f: {  	[sflag:s14] =	ssyncset.done $0x0  }
0x60: {  	[sflag:s14] =	ssyncadd.s32 $0xFFFFC000  }
0x61: {  	_ =	swait.ge [sflag:s14], $0x4000  }
0x62: {  	[sflag:s14] =	ssyncset.done $0x0  }
0x63: {  	p1 =	sne.s32 s24, $0x1;
	[sflag:s14] =	ssyncadd.s32 $0xFFFFC000  }
.Ltmp1:
0x64: {  	_ =	swait.ge [sflag:s3], $0x4000;
	(pc) =	sbr.rel @!p1 .LBB2_3-.Ltmp1, $4  }
0x65: {  	[sflag:s3] =	ssyncset.done $0x0  }
0x66: {  	[sflag:s3] =	ssyncadd.s32 $0xFFFFC000  }
0x67: {  	p0 =	por $0x1, $0x1;
	_ =	swait.ge [sflag:s3], $0x4000  }
0x68: {  	s0 =	sadd.s32 $0xFFFFFFFF, s24;
	s1 =	rddreg [dreg:$0x3];
	[sflag:s3] =	ssyncset.done $0x0  }
.LBB2_4:
0x69: {  	[sflag:s3] =	ssyncadd.s32 $0xFFFFC000  }
0x6a: {  	[tilespmem:s2], [sflag:$0x7] =	stream.linear.gather [hbm4b:s1+s2], $0x200, $0x38;
	[tilespmem:$0x18400] =	vst v63  }
0x6b: {  	_ =	swait.ge [sflag:s28], $0x200  }
0x6c: {  	[sflag:s28] =	ssyncset.done $0x0  }
0x6d: {  	s24 =	rddreg [dreg:$0x4];
	[sflag:s28] =	ssyncadd.s32 $0xFFFFFE00  }
0x6e: {  	[tilespmem:s26], [sflag:$0x7] =	stream.linear.gather [hbm4b:s24+s2], $0x200, $0x38;
	[tilespmem:$0x18400] =	vst v63  }
0x6f: {  	_ =	swait.ge [sflag:s28], $0x200  }
0x70: {  	[sflag:s28] =	ssyncset.done $0x0  }
0x71: {  	[sflag:s28] =	ssyncadd.s32 $0xFFFFFE00  }
0x72: {  	[tilespmem:s10], [sflag:$0x1] =	stream.indirect.gather [hbm4b:s6+s21], $0x80, s2, s21, $0xb8;
	[tilespmem:$0x18400] =	vst v63  }
0x73: {  	_ = 	snop  }
0x74: {  	[tilespmem:s11], [sflag:$0x1] =	stream.indirect.gather [hbm4b:s7+s21], $0x80, s26, s21, $0xb8;
	[tilespmem:$0x18400] =	vst v63  }
0x75: {  	_ = 	snop  }
0x76: {  	[tilespmem:s19], [sflag:$0x2] =	stream.indirect.gather [hbm4b:s6+s21], $0x80, s21, s21, $0xb8;
	[tilespmem:$0x18400] =	vst v63  }
0x77: {  	s24 =	simm.s32 $0x280  }
0x78: {  	[tilespmem:s20], [sflag:$0x2] =	stream.indirect.gather [hbm4b:s7+s21], $0x80, s24, s21, $0xb8;
	[tilespmem:$0x18400] =	vst v63  }
0x79: {  	_ = 	snop  }
0x7a: {  	[tilespmem:s17], [sflag:$0x3] =	stream.indirect.gather [hbm4b:s6+s21], $0x80, s31, s21, $0xb8;
	[tilespmem:$0x18400] =	vst v63  }
0x7b: {  	_ = 	snop  }
0x7c: {  	[tilespmem:s18], [sflag:$0x3] =	stream.indirect.gather [hbm4b:s7+s21], $0x80, s30, s21, $0xb8;
	[tilespmem:$0x18400] =	vst v63  }
0x7d: {  	_ =	swait.ge [sflag:s15], $0x4000  }
0x7e: {  	[sflag:s15] =	ssyncset.done $0x0  }
0x7f: {  	[sflag:s15] =	ssyncadd.s32 $0xFFFFC000  }
0x80: {  	_ =	swait.ge [sflag:s15], $0x4000  }
0x81: {  	[sflag:s15] =	ssyncset.done $0x0  }
0x82: {  	s1 =	rddreg [dreg:$0x5];
	[sflag:s15] =	ssyncadd.s32 $0xFFFFC000  }
0x83: {  	[hbm4b:s1+s2] =	stream.linear.scatter [tilespmem:s10], [sflag:$0x4], $0x4000, $0x38;
	[tilespmem:$0x18400] =	vst v63  }
0x84: {  	s24 =	rddreg [dreg:$0x6]  }
0x85: {  	[hbm4b:s24+s2] =	stream.linear.scatter [tilespmem:s11], [sflag:$0x4], $0x4000, $0x38;
	[tilespmem:$0x18400] =	vst v63  }
0x86: {  	_ =	swait.ge [sflag:s3], $0x4000  }
0x87: {  	[sflag:s3] =	ssyncset.done $0x0  }
0x88: {  	[sflag:s3] =	ssyncadd.s32 $0xFFFFC000  }
0x89: {  	_ =	swait.ge [sflag:s3], $0x4000  }
0x8a: {  	[sflag:s3] =	ssyncset.done $0x0  }
0x8b: {  	[sflag:s3] =	ssyncadd.s32 $0xFFFFC000  }
0x8c: {  	[tilespmem:s10], [sflag:$0x1] =	stream.indirect.gather [hbm4b:s6+s21], $0x80, s25, s21, $0xb8;
	[tilespmem:$0x18400] =	vst v63  }
0x8d: {  	_ = 	snop  }
0x8e: {  	[tilespmem:s11], [sflag:$0x1] =	stream.indirect.gather [hbm4b:s7+s21], $0x80, s29, s21, $0xb8;
	[tilespmem:$0x18400] =	vst v63  }
0x8f: {  	_ =	swait.ge [sflag:s23], $0x4000  }
0x90: {  	[sflag:s23] =	ssyncset.done $0x0  }
0x91: {  	[sflag:s23] =	ssyncadd.s32 $0xFFFFC000  }
0x92: {  	_ =	swait.ge [sflag:s23], $0x4000  }
0x93: {  	[sflag:s23] =	ssyncset.done $0x0  }
0x94: {  	[sflag:s23] =	ssyncadd.s32 $0xFFFFC000  }
0x95: {  	[hbm4b:s12+s2] =	stream.linear.scatter [tilespmem:s19], [sflag:$0x5], $0x4000, $0x38;
	[tilespmem:$0x18400] =	vst v63  }
0x96: {  	_ = 	snop  }
0x97: {  	[hbm4b:s13+s2] =	stream.linear.scatter [tilespmem:s20], [sflag:$0x5], $0x4000, $0x38;
	[tilespmem:$0x18400] =	vst v63  }
0x98: {  	_ =	swait.ge [sflag:s22], $0x4000  }
0x99: {  	[sflag:s22] =	ssyncset.done $0x0  }
0x9a: {  	[sflag:s22] =	ssyncadd.s32 $0xFFFFC000  }
0x9b: {  	_ =	swait.ge [sflag:s22], $0x4000  }
0x9c: {  	[sflag:s22] =	ssyncset.done $0x0  }
0x9d: {  	[sflag:s22] =	ssyncadd.s32 $0xFFFFC000  }
0x9e: {  	[hbm4b:s8+s2] =	stream.linear.scatter [tilespmem:s17], [sflag:$0x6], $0x4000, $0x38;
	[tilespmem:$0x18400] =	vst v63  }
0x9f: {  	_ = 	snop  }
0xa0: {  	[hbm4b:s9+s2] =	stream.linear.scatter [tilespmem:s18], [sflag:$0x6], $0x4000, $0x38;
	[tilespmem:$0x18400] =	vst v63  }
0xa1: {  	_ =	swait.ge [sflag:s15], $0x4000  }
0xa2: {  	[sflag:s15] =	ssyncset.done $0x0  }
0xa3: {  	[sflag:s15] =	ssyncadd.s32 $0xFFFFC000  }
0xa4: {  	_ =	swait.ge [sflag:s15], $0x4000  }
0xa5: {  	[sflag:s15] =	ssyncset.done $0x0  }
0xa6: {  	[sflag:s15] =	ssyncadd.s32 $0xFFFFC000  }
0xa7: {  	[hbm4b:s4+s2] =	stream.linear.scatter [tilespmem:s10], [sflag:$0x4], $0x4000, $0x38;
	[tilespmem:$0x18400] =	vst v63  }
0xa8: {  	_ = 	snop  }
0xa9: {  	[hbm4b:s5+s2] =	stream.linear.scatter [tilespmem:s11], [sflag:$0x4], $0x4000, $0x38;
	[tilespmem:$0x18400] =	vst v63  }
0xaa: {  	_ =	swait.ge [sflag:s16], $0x4000  }
0xab: {  	[sflag:s16] =	ssyncset.done $0x0  }
0xac: {  	[sflag:s16] =	ssyncadd.s32 $0xFFFFC000  }
0xad: {  	_ =	swait.ge [sflag:s16], $0x4000  }
0xae: {  	[sflag:s16] =	ssyncset.done $0x0  }
0xaf: {  	[sflag:s16] =	ssyncadd.s32 $0xFFFFC000  }
0xb0: {  	_ =	swait.ge [sflag:s14], $0x4000  }
0xb1: {  	[sflag:s14] =	ssyncset.done $0x0  }
0xb2: {  	[sflag:s14] =	ssyncadd.s32 $0xFFFFC000  }
0xb3: {  	_ =	swait.ge [sflag:s14], $0x4000  }
0xb4: {  	[sflag:s14] =	ssyncset.done $0x0  }
0xb5: {  	p1 =	sne.s32 s0, $0x1;
	[sflag:s14] =	ssyncadd.s32 $0xFFFFC000  }
.Ltmp2:
0xb6: {  	_ =	swait.ge [sflag:s3], $0x4000;
	(pc) =	sbr.rel @p1 .LBB2_4-.Ltmp2, $4  }
0xb7: {  	[sflag:s3] =	ssyncset.done $0x0  }
0xb8: {  	[sflag:s3] =	ssyncadd.s32 $0xFFFFC000  }
0xb9: {  	_ =	swait.ge [sflag:s3], $0x4000  }
0xba: {  	s0 =	sadd.s32 $0xFFFFFFFF, s0;
	s1 =	rddreg [dreg:$0x3];
	[sflag:s3] =	ssyncset.done $0x0  }
0xbb: {  	s29 =	simm.s32 $0x300;
	s31 =	simm.s32 $0x100  }
0xbc: {  	s30 =	simm.s32 $0x280;
	s25 =	simm.s32 $0x180;
	s24 =	rddreg [dreg:$0x2]  }
.LBB2_6:
0xbd: {  	[sflag:s3] =	ssyncadd.s32 @p0 $0xFFFFC000  }
0xbe: {  	[tilespmem:s2], [sflag:$0x7] =	stream.linear.gather [hbm4b:s1+s2], $0x200, $0x38;
	[tilespmem:$0x18400] =	vst v63  }
0xbf: {  	_ =	swait.ge [sflag:s28], $0x200  }
0xc0: {  	[sflag:s28] =	ssyncset.done $0x0  }
0xc1: {  	s0 =	rddreg [dreg:$0x4];
	[sflag:s28] =	ssyncadd.s32 $0xFFFFFE00  }
0xc2: {  	[tilespmem:s26], [sflag:$0x7] =	stream.linear.gather [hbm4b:s0+s2], $0x200, $0x38;
	[tilespmem:$0x18400] =	vst v63  }
0xc3: {  	_ =	swait.ge [sflag:s28], $0x200  }
0xc4: {  	[sflag:s28] =	ssyncset.done $0x0  }
0xc5: {  	[sflag:s28] =	ssyncadd.s32 $0xFFFFFE00  }
0xc6: {  	[tilespmem:s10], [sflag:$0x1] =	stream.indirect.gather [hbm4b:s6+s21], $0x80, s2, s21, $0xb8;
	[tilespmem:$0x18400] =	vst v63  }
0xc7: {  	_ = 	snop  }
0xc8: {  	[tilespmem:s11], [sflag:$0x1] =	stream.indirect.gather [hbm4b:s7+s21], $0x80, s26, s21, $0xb8;
	[tilespmem:$0x18400] =	vst v63  }
0xc9: {  	_ = 	snop  }
0xca: {  	[tilespmem:s19], [sflag:$0x2] =	stream.indirect.gather [hbm4b:s6+s21], $0x80, s21, s21, $0xb8;
	[tilespmem:$0x18400] =	vst v63  }
0xcb: {  	_ = 	snop  }
0xcc: {  	[tilespmem:s20], [sflag:$0x2] =	stream.indirect.gather [hbm4b:s7+s21], $0x80, s30, s21, $0xb8;
	[tilespmem:$0x18400] =	vst v63  }
0xcd: {  	_ = 	snop  }
0xce: {  	[tilespmem:s17], [sflag:$0x3] =	stream.indirect.gather [hbm4b:s6+s21], $0x80, s31, s21, $0xb8;
	[tilespmem:$0x18400] =	vst v63  }
0xcf: {  	_ = 	snop  }
0xd0: {  	[tilespmem:s18], [sflag:$0x3] =	stream.indirect.gather [hbm4b:s7+s21], $0x80, s29, s21, $0xb8;
	[tilespmem:$0x18400] =	vst v63  }
0xd1: {  	_ =	swait.ge [sflag:s15], $0x4000  }
0xd2: {  	[sflag:s15] =	ssyncset.done $0x0  }
0xd3: {  	[sflag:s15] =	ssyncadd.s32 $0xFFFFC000  }
0xd4: {  	_ =	swait.ge [sflag:s15], $0x4000  }
0xd5: {  	[sflag:s15] =	ssyncset.done $0x0  }
0xd6: {  	s28 =	rddreg [dreg:$0x5];
	[sflag:s15] =	ssyncadd.s32 $0xFFFFC000  }
0xd7: {  	[hbm4b:s28+s2] =	stream.linear.scatter [tilespmem:s10], [sflag:$0x4], $0x4000, $0x38;
	[tilespmem:$0x18400] =	vst v63  }
0xd8: {  	s29 =	rddreg [dreg:$0x6]  }
0xd9: {  	[hbm4b:s29+s2] =	stream.linear.scatter [tilespmem:s11], [sflag:$0x4], $0x4000, $0x38;
	[tilespmem:$0x18400] =	vst v63  }
0xda: {  	_ =	swait.ge [sflag:s3], $0x4000  }
0xdb: {  	[sflag:s3] =	ssyncset.done $0x0  }
0xdc: {  	[sflag:s3] =	ssyncadd.s32 $0xFFFFC000  }
0xdd: {  	_ =	swait.ge [sflag:s3], $0x4000  }
0xde: {  	[sflag:s3] =	ssyncset.done $0x0  }
0xdf: {  	[sflag:s3] =	ssyncadd.s32 $0xFFFFC000  }
0xe0: {  	[tilespmem:s10], [sflag:$0x1] =	stream.indirect.gather [hbm4b:s6+s21], $0x80, s25, s21, $0xb8;
	[tilespmem:$0x18400] =	vst v63  }
0xe1: {  	s30 =	simm.s32 $0x380  }
0xe2: {  	[tilespmem:s11], [sflag:$0x1] =	stream.indirect.gather [hbm4b:s7+s21], $0x80, s30, s21, $0xb8;
	[tilespmem:$0x18400] =	vst v63  }
0xe3: {  	_ =	swait.ge [sflag:s23], $0x4000  }
0xe4: {  	[sflag:s23] =	ssyncset.done $0x0  }
0xe5: {  	[sflag:s23] =	ssyncadd.s32 $0xFFFFC000  }
0xe6: {  	_ =	swait.ge [sflag:s23], $0x4000  }
0xe7: {  	[sflag:s23] =	ssyncset.done $0x0  }
0xe8: {  	[sflag:s23] =	ssyncadd.s32 $0xFFFFC000  }
0xe9: {  	[hbm4b:s12+s2] =	stream.linear.scatter [tilespmem:s19], [sflag:$0x5], $0x4000, $0x38;
	[tilespmem:$0x18400] =	vst v63  }
0xea: {  	_ = 	snop  }
0xeb: {  	[hbm4b:s13+s2] =	stream.linear.scatter [tilespmem:s20], [sflag:$0x5], $0x4000, $0x38;
	[tilespmem:$0x18400] =	vst v63  }
0xec: {  	_ =	swait.ge [sflag:s22], $0x4000  }
0xed: {  	[sflag:s22] =	ssyncset.done $0x0  }
0xee: {  	[sflag:s22] =	ssyncadd.s32 $0xFFFFC000  }
0xef: {  	_ =	swait.ge [sflag:s22], $0x4000  }
0xf0: {  	[sflag:s22] =	ssyncset.done $0x0  }
0xf1: {  	[sflag:s22] =	ssyncadd.s32 $0xFFFFC000  }
0xf2: {  	[hbm4b:s8+s2] =	stream.linear.scatter [tilespmem:s17], [sflag:$0x6], $0x4000, $0x38;
	[tilespmem:$0x18400] =	vst v63  }
0xf3: {  	_ = 	snop  }
0xf4: {  	[hbm4b:s9+s2] =	stream.linear.scatter [tilespmem:s18], [sflag:$0x6], $0x4000, $0x38;
	[tilespmem:$0x18400] =	vst v63  }
0xf5: {  	_ =	swait.ge [sflag:s15], $0x4000  }
0xf6: {  	[sflag:s15] =	ssyncset.done $0x0  }
0xf7: {  	[sflag:s15] =	ssyncadd.s32 $0xFFFFC000  }
0xf8: {  	_ =	swait.ge [sflag:s15], $0x4000  }
0xf9: {  	[sflag:s15] =	ssyncset.done $0x0  }
0xfa: {  	[sflag:s15] =	ssyncadd.s32 $0xFFFFC000  }
0xfb: {  	[hbm4b:s4+s2] =	stream.linear.scatter [tilespmem:s10], [sflag:$0x4], $0x4000, $0x38;
	[tilespmem:$0x18400] =	vst v63  }
0xfc: {  	_ = 	snop  }
0xfd: {  	[hbm4b:s5+s2] =	stream.linear.scatter [tilespmem:s11], [sflag:$0x4], $0x4000, $0x38;
	[tilespmem:$0x18400] =	vst v63  }
0xfe: {  	_ =	swait.ge [sflag:s16], $0x4000  }
0xff: {  	[sflag:s16] =	ssyncset.done $0x0  }
0x100: {  	[sflag:s16] =	ssyncadd.s32 $0xFFFFC000  }
0x101: {  	_ =	swait.ge [sflag:s16], $0x4000  }
0x102: {  	[sflag:s16] =	ssyncset.done $0x0  }
0x103: {  	[sflag:s16] =	ssyncadd.s32 $0xFFFFC000  }
0x104: {  	_ =	swait.ge [sflag:s14], $0x4000  }
0x105: {  	[sflag:s14] =	ssyncset.done $0x0  }
0x106: {  	[sflag:s14] =	ssyncadd.s32 $0xFFFFC000  }
0x107: {  	_ =	swait.ge [sflag:s14], $0x4000  }
0x108: {  	[sflag:s14] =	ssyncset.done $0x0  }
0x109: {  	[sflag:s14] =	ssyncadd.s32 $0xFFFFC000  }
0x10a: {  	_ =	swait.ge [sflag:s3], $0x4000  }
0x10b: {  	[sflag:s3] =	ssyncset.done $0x0  }
0x10c: {  	[sflag:s3] =	ssyncadd.s32 $0xFFFFC000  }
0x10d: {  	_ =	swait.ge [sflag:s3], $0x4000  }
0x10e: {  	[sflag:s3] =	ssyncset.done $0x0  }
0x10f: {  	[sflag:s3] =	ssyncadd.s32 $0xFFFFC000  }
0x110: {  	_ =	sfence.sel $0x180000  }
0x111: {  	s31 =	stileid.u32;
	[bflag:$0x0] =	sbarrier.arrive $0xFFFF  }
0x112: {  	p0 =	sne.s32 s31, $0x0;
	_ =	strace $0x90000047  }
0x113: {  	s0 =	sadd.s32 @!p0 $0x100000, s24;
	[bflag:$0x2] =	sbarrier.arrive $0xFFFF  }
0x114: {  	[sflag:s0] =	ssyncadd.tile.s32 @!p0 $0x1;
	_ =	shalt  }
.LBB2_1:
.Ltmp3:
0x115: {  	(pc) =	sbr.rel .LBB2_6-.Ltmp3, $3  }
0x116: {  	_ =	sdelay $0x1  }
0x117: {  	s29 =	simm.s32 $0x300  }
0x118: {  	s31 =	simm.s32 $0x100;
	s30 =	simm.s32 $0x280;
	s25 =	simm.s32 $0x180  }
.LBB2_3:
.Ltmp4:
0x119: {  	(pc) =	sbr.rel .LBB2_6-.Ltmp4, $3  }
0x11a: {  	_ =	sdelay $0x1  }
0x11b: {  	s29 =	simm.s32 $0x300;
	s31 =	simm.s32 $0x100  }
0x11c: {  	s30 =	simm.s32 $0x280;
	s25 =	simm.s32 $0x180;
	s24 =	rddreg [dreg:$0x2]  }
.Lfunc_end2:
_tile_overlayer_lowered:
.L_overlay_start_2:
0x11d: {  	(tag) =	ssettag $0x2  }
0x11e: {  	s0 =	rddreg [dreg:$0x0];
	s2 =	stileid.u32  }
0x11f: {  	s1 =	rddreg [dreg:$0x1];
	p0 =	sne.s32 s2, $0x0  }
0x120: {  	s3 =	rddreg [dreg:$0x2];
	[bflag:$0x3] =	sbarrier.arrive $0xFFFF;
	s2 =	simm.s32 @!p0 $0x1C07  }
0x121: {  	[timem:s3], [sflag:s2] =	dma.local @!p0 [hbm:s0], s1  }
0x122: {  	s0 =	simm.s32 @!p0 $0x7  }
0x123: {  	_ =	swait.ge @!p0 [sflag:s0], s1  }
0x124: {  	s1 =	ssub.s32 @!p0 $0x0, s1;
	[sflag:s0] =	ssyncset.done @!p0 $0x0  }
0x125: {  	[sflag:s0] =	ssyncadd.s32 @!p0 s1  }
0x126: {  	[bflag:$0x3] =	sbarrier.arrive $0xFFFF  }
0x127: {  	_ =	shalt  }

</sc_bundles>
